<compile_context>
chip_gen: v7x
topology: tpu7x:2x2x1
jax: 0.10.2.dev20260603
libtpu: 0.0.44.dev20260713+nightly
codegen_flags: <defaults>
</compile_context>

<pallas_src>
import functools

import jax
import jax.numpy as jnp
from jax import lax
from jax.experimental import pallas as pl
from jax.experimental.pallas import tpu as pltpu
from jax.experimental.pallas import tpu_sc as plsc

_DIM = 32
_NQ = 4
_K = 8192
_TN = 768
_KB = 1024


def _argmin_body(res_ref, qnt_ref, augbf_ref, e2_ref, rout_ref, idx_ref,
                 sq_ref):
    i = pl.program_id(0)

    @pl.when(i == 0)
    def _():
        sq_ref[0, 0] = 0.0

    res = res_ref[...]
    st = res + (qnt_ref[:, :_DIM] - res)
    rsd = res - st
    rout_ref[...] = rsd
    sq_ref[0, 0] += jnp.sum(rsd * rsd)

    rbf = rsd.astype(jnp.bfloat16)

    macc = jnp.full((_TN, _KB), jnp.inf, jnp.float32)
    bacc = jnp.zeros((_TN, _KB), jnp.float32)
    for kp in range(_K // _KB // 2):
        d2 = []
        for j in range(2):
            ksl = pl.ds((2 * kp + j) * _KB, _KB)
            m2 = jnp.dot(rbf, augbf_ref[:, ksl],
                         preferred_element_type=jnp.float32)
            d2.append(e2_ref[:, ksl] + m2)
        pb = d2[1] < d2[0]
        dp = jnp.minimum(d2[0], d2[1])
        bidp = jnp.where(pb, jnp.float32(2 * kp + 1), jnp.float32(2 * kp))
        upd = dp < macc
        macc = jnp.where(upd, dp, macc)
        bacc = jnp.where(upd, bidp, bacc)
    lmin = jnp.min(macc, axis=1)
    io = lax.broadcasted_iota(jnp.int32, (_TN, _KB), 1).astype(jnp.float32)
    pk = bacc * jnp.float32(_KB) + io
    cand = jnp.where(macc <= lmin[:, None], pk, jnp.float32(2 * _K))
    idx_ref[pl.ds(i * _TN, _TN)] = jnp.min(cand, axis=1).astype(jnp.int32)


def _argmin_call(res_prev, quant_prev, augbf_q, e2_q, n_tok):
    nt = n_tok // _TN
    return pl.pallas_call(
        _argmin_body,
        grid=(nt,),
        in_specs=[
            pl.BlockSpec((_TN, _DIM), lambda i: (i, 0)),
            pl.BlockSpec((_TN, 128), lambda i: (i, 0)),
            pl.BlockSpec((_DIM, _K), lambda i: (0, 0)),
            pl.BlockSpec((1, _K), lambda i: (0, 0)),
        ],
        out_specs=[
            pl.BlockSpec((_TN, _DIM), lambda i: (i, 0)),
            pl.BlockSpec((n_tok,), lambda i: (0,)),
            pl.BlockSpec(memory_space=pltpu.SMEM, block_shape=(1, 1),
                         index_map=lambda i: (0, 0)),
        ],
        out_shape=[
            jax.ShapeDtypeStruct((n_tok, _DIM), jnp.float32),
            jax.ShapeDtypeStruct((n_tok,), jnp.int32),
            jax.ShapeDtypeStruct((1, 1), jnp.float32),
        ],
    )(res_prev, quant_prev, augbf_q, e2_q)


def _final_call(xf, res3, quant3, sqs, n_tok):
    nt = n_tok // _TN

    def body(x_ref, res_ref, qnt_ref, sqs_ref, qout_ref, loss_ref):
        i = pl.program_id(0)

        @pl.when(i == 0)
        def _():
            loss_ref[0, 0] = 0.0

        res = res_ref[...]
        st = res + (qnt_ref[:, :_DIM] - res)
        r4 = res - st
        qout_ref[...] = x_ref[...] - r4
        loss_ref[0, 0] += jnp.sum(r4 * r4)

        @pl.when(i == nt - 1)
        def _():
            tot = loss_ref[0, 0] + sqs_ref[0, 0] + sqs_ref[0, 1] + sqs_ref[0, 2]
            loss_ref[0, 0] = 2.0 * tot / jnp.float32(n_tok * _DIM)

    return pl.pallas_call(
        body,
        grid=(nt,),
        in_specs=[
            pl.BlockSpec((_TN, _DIM), lambda i: (i, 0)),
            pl.BlockSpec((_TN, _DIM), lambda i: (i, 0)),
            pl.BlockSpec((_TN, 128), lambda i: (i, 0)),
            pl.BlockSpec(memory_space=pltpu.SMEM, block_shape=(1, 3),
                         index_map=lambda i: (0, 0)),
        ],
        out_specs=[
            pl.BlockSpec((_TN, _DIM), lambda i: (i, 0)),
            pl.BlockSpec(memory_space=pltpu.SMEM, block_shape=(1, 1),
                         index_map=lambda i: (0, 0)),
        ],
        out_shape=[
            jax.ShapeDtypeStruct((n_tok, _DIM), jnp.float32),
            jax.ShapeDtypeStruct((1, 1), jnp.float32),
        ],
    )(xf, res3, quant3, sqs)


def _make_sc_gather(n_tok):
    info = plsc.get_sparse_core_info()
    nc, ns = info.num_cores, info.num_subcores
    nw = nc * ns
    b_per_w = n_tok // nw
    mesh = plsc.VectorSubcoreMesh(core_axis_name="c", subcore_axis_name="s")

    @functools.partial(
        pl.kernel, mesh=mesh,
        out_type=jax.ShapeDtypeStruct((n_tok, 128), jnp.float32),
        scratch_types=[
            pltpu.VMEM((b_per_w,), jnp.int32),
            pltpu.VMEM((b_per_w, 128), jnp.float32),
            pltpu.SemaphoreType.DMA,
        ],
    )
    def gather(table_hbm, idx_hbm, out_hbm, idx_v, rows_v, sem):
        wid = lax.axis_index("s") * nc + lax.axis_index("c")
        base = wid * b_per_w
        pltpu.sync_copy(idx_hbm.at[pl.ds(base, b_per_w)], idx_v)
        pltpu.async_copy(table_hbm.at[idx_v], rows_v, sem).wait()
        pltpu.sync_copy(rows_v, out_hbm.at[pl.ds(base, b_per_w)])

    return gather


def kernel(x, embeds):
    b, s, _ = x.shape
    n_tok = b * s
    xf = x.reshape(n_tok, _DIM)

    augbf = (-2.0 * jnp.transpose(embeds, (0, 2, 1))).astype(jnp.bfloat16)
    e2 = jnp.sum(embeds ** 2, axis=2)[:, None, :]

    sc_gather = _make_sc_gather(n_tok)
    emb_rnd = embeds.astype(jnp.bfloat16).astype(jnp.float32)
    emb_pad = jnp.pad(emb_rnd, ((0, 0), (0, 0), (0, 128 - _DIM)))

    zeros = jnp.zeros((n_tok, 128), jnp.float32)
    res_prev, quant_prev = xf, zeros
    idxs, sqs = [], []
    for q in range(_NQ):
        res_q, idx_q, sq_q = _argmin_call(res_prev, quant_prev, augbf[q],
                                          e2[q], n_tok)
        quant_q = sc_gather(emb_pad[q], idx_q)
        idxs.append(idx_q)
        sqs.append(sq_q)
        res_prev, quant_prev = res_q, quant_q

    sq123 = jnp.concatenate([sqs[1], sqs[2], sqs[3]], axis=1)
    qout, loss = _final_call(xf, res_prev, quant_prev, sq123, n_tok)

    quantized_out = qout.reshape(b, s, _DIM)
    all_indices = jnp.stack(idxs, axis=-1).reshape(b, s, _NQ)
    return (quantized_out, all_indices, loss[0, 0])

# --- scband reference (transcript-rebuilt; emitter-appended) ---
"""Pipeline reference for scband-residual-vq-24893630448083 (READ-ONLY COPY).

The authoritative reference and input builder live on the scoring server;
editing this copy changes nothing except your own understanding.
"""

import jax, jax.numpy as jnp
import numpy as np

DIM = 32
NUM_Q = 4
K = 8192


def setup_inputs(seed: int = 0) -> dict:
    key = jax.random.key(seed)
    k1, k2 = jax.random.split(key)
    x = jax.random.normal(k1, (8, 576, DIM), dtype=jnp.float32)
    # one codebook (the 'embed' buffer) per quantizer layer, initialized randn like torch
    embeds = jax.random.normal(k2, (NUM_Q, K, DIM), dtype=jnp.float32)
    return {"x": x, "embeds": embeds}


def _vq_layer(x, embed):
    flatten = x.reshape(-1, DIM)
    dist = (jnp.sum(flatten ** 2, axis=1, keepdims=True)
            + jnp.sum(embed ** 2, axis=1)
            - 2.0 * jnp.matmul(flatten, embed.T))
    indices_flat = jnp.argmin(dist, axis=1)
    encodings = jax.nn.one_hot(indices_flat, K, dtype=jnp.float32)
    indices = indices_flat.reshape(x.shape[:-1])
    quantized = jnp.matmul(encodings, embed).reshape(x.shape)
    commitment_loss = jnp.mean((jax.lax.stop_gradient(quantized) - x) ** 2)
    embedding_loss = jnp.mean((quantized - jax.lax.stop_gradient(x)) ** 2)
    vq_loss = commitment_loss + embedding_loss
    # straight-through estimator
    quantized = x + jax.lax.stop_gradient(quantized - x)
    return quantized, indices, vq_loss


def reference(x, embeds):
    quantized_out = jnp.zeros_like(x)
    residual = x
    all_indices = []
    all_losses = []
    for i in range(NUM_Q):
        quantized, indices, vq_loss = _vq_layer(residual, embeds[i])
        residual = residual - jax.lax.stop_gradient(quantized)
        quantized_out = quantized_out + quantized
        all_indices.append(indices)
        all_losses.append(vq_loss)
    all_indices = jnp.stack(all_indices, axis=-1)
    total_vq_loss = jnp.sum(jnp.stack(all_losses))
    return (quantized_out, all_indices, total_vq_loss)

if __name__ == "__main__":
    import jax
    _d = setup_inputs()
    print(jax.jit(kernel)(*tuple(_d.values())))

</pallas_src>

<mosaic_0001>
#map = affine_map<(d0, d1) -> (0, 0)>
#map1 = affine_map<(d0, d1) -> (0)>
module attributes {stable_mosaic.version = 14 : i64} {
  func.func @gather(%arg0: i32, %arg1: i32, %arg2: memref<8192x128xf32, #tpu.memory_space<hbm>>, %arg3: memref<4608xi32, #tpu.memory_space<hbm>>, %arg4: memref<4608x128xf32, #tpu.memory_space<hbm>>, %arg5: memref<144xi32, #tpu.memory_space<vmem>>, %arg6: memref<144x128xf32, #tpu.memory_space<vmem>>, %arg7: memref<!tpu.dma_semaphore, #tpu.memory_space<semaphore_mem>>) attributes {dimension_semantics = [#tpu.dimension_semantics<core_parallel>, #tpu.dimension_semantics<subcore_parallel>], iteration_bounds = array<i64: 2, 16>, scalar_prefetch = 0 : i64, scratch_operands = 3 : i64, tpu.core_type = #tpu.core_type<sc_vector_subcore>, window_params = [{transform_indices = #map}, {transform_indices = #map1}, {transform_indices = #map}]} {
    %mul3A = arith.constant 2 : i32
    %mul3A_0 = arith.muli %arg1, %mul3A : i32
    %add3A = arith.addi %mul3A_0, %arg0 : i32
    %mul3A_1 = arith.constant 144 : i32
    %mul3A_2 = arith.muli %add3A, %mul3A_1 : i32
    "tpu.region"() ({
      %run_scoped3A = tpu.sem_alloc : memref<!tpu.dma_semaphore, #tpu.memory_space<semaphore_mem>>
      %dma_start3A_7 = tpu.memref_slice %arg3[%mul3A_2] : memref<4608xi32, #tpu.memory_space<hbm>> -> memref<144xi32, #tpu.memory_space<hbm>>
      %dma_start3A_8 = tpu.memref_slice %arg3[%mul3A_2] : memref<4608xi32, #tpu.memory_space<hbm>> -> memref<144xi32, #tpu.memory_space<hbm>>
      tpu.enqueue_dma source(%dma_start3A_8 : memref<144xi32, #tpu.memory_space<hbm>>) target(%arg5 : memref<144xi32, #tpu.memory_space<vmem>>) target_semaphore(%run_scoped3A : memref<!tpu.dma_semaphore, #tpu.memory_space<semaphore_mem>>)
      %dma_wait3A_9 = tpu.memref_slice %arg3[%mul3A_2] : memref<4608xi32, #tpu.memory_space<hbm>> -> memref<144xi32, #tpu.memory_space<hbm>>
      %dma_wait3A_10 = tpu.memref_slice %arg3[%mul3A_2] : memref<4608xi32, #tpu.memory_space<hbm>> -> memref<144xi32, #tpu.memory_space<hbm>>
      tpu.wait_dma2 semaphore(%run_scoped3A : memref<!tpu.dma_semaphore, #tpu.memory_space<semaphore_mem>>) src(%dma_wait3A_10 : memref<144xi32, #tpu.memory_space<hbm>>) dst(%arg5 : memref<144xi32, #tpu.memory_space<vmem>>)
      tpu.yield
    }) : () -> ()
    %dma_start3A = arith.constant 0 : i32
    %dma_start3A_3 = arith.constant 0 : i32
    %dma_start3A_4 = tpu.memref_slice %arg2[%dma_start3A, %dma_start3A_3] : memref<8192x128xf32, #tpu.memory_space<hbm>> -> memref<8192x128xf32, #tpu.memory_space<hbm>>
    tpu.enqueue_indirect_dma source(%dma_start3A_4 : memref<8192x128xf32, #tpu.memory_space<hbm>>) target(%arg6 : memref<144x128xf32, #tpu.memory_space<vmem>>) offsets(%arg5 : memref<144xi32, #tpu.memory_space<vmem>>) semaphore(%arg7 : memref<!tpu.dma_semaphore, #tpu.memory_space<semaphore_mem>>)
    %dma_wait3A = arith.constant 0 : i32
    %dma_wait3A_5 = arith.constant 0 : i32
    %dma_wait3A_6 = tpu.memref_slice %arg2[%dma_wait3A, %dma_wait3A_5] : memref<8192x128xf32, #tpu.memory_space<hbm>> -> memref<8192x128xf32, #tpu.memory_space<hbm>>
    tpu.wait_indirect_dma semaphore(%arg7 : memref<!tpu.dma_semaphore, #tpu.memory_space<semaphore_mem>>) src(%dma_wait3A_6 : memref<8192x128xf32, #tpu.memory_space<hbm>>) dst(%arg6 : memref<144x128xf32, #tpu.memory_space<vmem>>)
    "tpu.region"() ({
      %run_scoped3A = tpu.sem_alloc : memref<!tpu.dma_semaphore, #tpu.memory_space<semaphore_mem>>
      %dma_start3A_7 = arith.constant 0 : i32
      %dma_start3A_8 = tpu.memref_slice %arg4[%mul3A_2, %dma_start3A_7] : memref<4608x128xf32, #tpu.memory_space<hbm>> -> memref<144x128xf32, #tpu.memory_space<hbm>>
      %dma_start3A_9 = arith.constant 0 : i32
      %dma_start3A_10 = tpu.memref_slice %arg4[%mul3A_2, %dma_start3A_9] : memref<4608x128xf32, #tpu.memory_space<hbm>> -> memref<144x128xf32, #tpu.memory_space<hbm>>
      tpu.enqueue_dma source(%arg6 : memref<144x128xf32, #tpu.memory_space<vmem>>) target(%dma_start3A_10 : memref<144x128xf32, #tpu.memory_space<hbm>>) target_semaphore(%run_scoped3A : memref<!tpu.dma_semaphore, #tpu.memory_space<semaphore_mem>>)
      %dma_wait3A_11 = arith.constant 0 : i32
      %dma_wait3A_12 = tpu.memref_slice %arg4[%mul3A_2, %dma_wait3A_11] : memref<4608x128xf32, #tpu.memory_space<hbm>> -> memref<144x128xf32, #tpu.memory_space<hbm>>
      %dma_wait3A_13 = arith.constant 0 : i32
      %dma_wait3A_14 = tpu.memref_slice %arg4[%mul3A_2, %dma_wait3A_13] : memref<4608x128xf32, #tpu.memory_space<hbm>> -> memref<144x128xf32, #tpu.memory_space<hbm>>
      tpu.wait_dma2 semaphore(%run_scoped3A : memref<!tpu.dma_semaphore, #tpu.memory_space<semaphore_mem>>) src(%arg6 : memref<144x128xf32, #tpu.memory_space<vmem>>) dst(%dma_wait3A_14 : memref<144x128xf32, #tpu.memory_space<hbm>>)
      tpu.yield
    }) : () -> ()
    return
  }
}

#map = affine_map<(d0, d1) -> (0, 0)>
#map1 = affine_map<(d0, d1) -> (0)>
module attributes {stable_mosaic.version = 14 : i64} {
  func.func @gather(%arg0: i32, %arg1: i32, %arg2: memref<8192x128xf32, #tpu.memory_space<hbm>>, %arg3: memref<4608xi32, #tpu.memory_space<hbm>>, %arg4: memref<4608x128xf32, #tpu.memory_space<hbm>>, %arg5: memref<144xi32, #tpu.memory_space<vmem>>, %arg6: memref<144x128xf32, #tpu.memory_space<vmem>>, %arg7: memref<!tpu.dma_semaphore, #tpu.memory_space<semaphore_mem>>) attributes {dimension_semantics = [#tpu.dimension_semantics<core_parallel>, #tpu.dimension_semantics<subcore_parallel>], iteration_bounds = array<i64: 2, 16>, scalar_prefetch = 0 : i64, scratch_operands = 3 : i64, tpu.core_type = #tpu.core_type<sc_vector_subcore>, window_params = [{transform_indices = #map}, {transform_indices = #map1}, {transform_indices = #map}]} {
    %mul3A = arith.constant 2 : i32
    %mul3A_0 = arith.muli %arg1, %mul3A : i32
    %add3A = arith.addi %mul3A_0, %arg0 : i32
    %mul3A_1 = arith.constant 144 : i32
    %mul3A_2 = arith.muli %add3A, %mul3A_1 : i32
    "tpu.region"() ({
      %run_scoped3A = tpu.sem_alloc : memref<!tpu.dma_semaphore, #tpu.memory_space<semaphore_mem>>
      %dma_start3A_7 = tpu.memref_slice %arg3[%mul3A_2] : memref<4608xi32, #tpu.memory_space<hbm>> -> memref<144xi32, #tpu.memory_space<hbm>>
      %dma_start3A_8 = tpu.memref_slice %arg3[%mul3A_2] : memref<4608xi32, #tpu.memory_space<hbm>> -> memref<144xi32, #tpu.memory_space<hbm>>
      tpu.enqueue_dma source(%dma_start3A_8 : memref<144xi32, #tpu.memory_space<hbm>>) target(%arg5 : memref<144xi32, #tpu.memory_space<vmem>>) target_semaphore(%run_scoped3A : memref<!tpu.dma_semaphore, #tpu.memory_space<semaphore_mem>>)
      %dma_wait3A_9 = tpu.memref_slice %arg3[%mul3A_2] : memref<4608xi32, #tpu.memory_space<hbm>> -> memref<144xi32, #tpu.memory_space<hbm>>
      %dma_wait3A_10 = tpu.memref_slice %arg3[%mul3A_2] : memref<4608xi32, #tpu.memory_space<hbm>> -> memref<144xi32, #tpu.memory_space<hbm>>
      tpu.wait_dma2 semaphore(%run_scoped3A : memref<!tpu.dma_semaphore, #tpu.memory_space<semaphore_mem>>) src(%dma_wait3A_10 : memref<144xi32, #tpu.memory_space<hbm>>) dst(%arg5 : memref<144xi32, #tpu.memory_space<vmem>>)
      tpu.yield
    }) : () -> ()
    %dma_start3A = arith.constant 0 : i32
    %dma_start3A_3 = arith.constant 0 : i32
    %dma_start3A_4 = tpu.memref_slice %arg2[%dma_start3A, %dma_start3A_3] : memref<8192x128xf32, #tpu.memory_space<hbm>> -> memref<8192x128xf32, #tpu.memory_space<hbm>>
    tpu.enqueue_indirect_dma source(%dma_start3A_4 : memref<8192x128xf32, #tpu.memory_space<hbm>>) target(%arg6 : memref<144x128xf32, #tpu.memory_space<vmem>>) offsets(%arg5 : memref<144xi32, #tpu.memory_space<vmem>>) semaphore(%arg7 : memref<!tpu.dma_semaphore, #tpu.memory_space<semaphore_mem>>)
    %dma_wait3A = arith.constant 0 : i32
    %dma_wait3A_5 = arith.constant 0 : i32
    %dma_wait3A_6 = tpu.memref_slice %arg2[%dma_wait3A, %dma_wait3A_5] : memref<8192x128xf32, #tpu.memory_space<hbm>> -> memref<8192x128xf32, #tpu.memory_space<hbm>>
    tpu.wait_indirect_dma semaphore(%arg7 : memref<!tpu.dma_semaphore, #tpu.memory_space<semaphore_mem>>) src(%dma_wait3A_6 : memref<8192x128xf32, #tpu.memory_space<hbm>>) dst(%arg6 : memref<144x128xf32, #tpu.memory_space<vmem>>)
    "tpu.region"() ({
      %run_scoped3A = tpu.sem_alloc : memref<!tpu.dma_semaphore, #tpu.memory_space<semaphore_mem>>
      %dma_start3A_7 = arith.constant 0 : i32
      %dma_start3A_8 = tpu.memref_slice %arg4[%mul3A_2, %dma_start3A_7] : memref<4608x128xf32, #tpu.memory_space<hbm>> -> memref<144x128xf32, #tpu.memory_space<hbm>>
      %dma_start3A_9 = arith.constant 0 : i32
      %dma_start3A_10 = tpu.memref_slice %arg4[%mul3A_2, %dma_start3A_9] : memref<4608x128xf32, #tpu.memory_space<hbm>> -> memref<144x128xf32, #tpu.memory_space<hbm>>
      tpu.enqueue_dma source(%arg6 : memref<144x128xf32, #tpu.memory_space<vmem>>) target(%dma_start3A_10 : memref<144x128xf32, #tpu.memory_space<hbm>>) target_semaphore(%run_scoped3A : memref<!tpu.dma_semaphore, #tpu.memory_space<semaphore_mem>>)
      %dma_wait3A_11 = arith.constant 0 : i32
      %dma_wait3A_12 = tpu.memref_slice %arg4[%mul3A_2, %dma_wait3A_11] : memref<4608x128xf32, #tpu.memory_space<hbm>> -> memref<144x128xf32, #tpu.memory_space<hbm>>
      %dma_wait3A_13 = arith.constant 0 : i32
      %dma_wait3A_14 = tpu.memref_slice %arg4[%mul3A_2, %dma_wait3A_13] : memref<4608x128xf32, #tpu.memory_space<hbm>> -> memref<144x128xf32, #tpu.memory_space<hbm>>
      tpu.wait_dma2 semaphore(%run_scoped3A : memref<!tpu.dma_semaphore, #tpu.memory_space<semaphore_mem>>) src(%arg6 : memref<144x128xf32, #tpu.memory_space<vmem>>) dst(%dma_wait3A_14 : memref<144x128xf32, #tpu.memory_space<hbm>>)
      tpu.yield
    }) : () -> ()
    return
  }
}

#map = affine_map<(d0, d1) -> (0, 0)>
#map1 = affine_map<(d0, d1) -> (0)>
module attributes {stable_mosaic.version = 14 : i64} {
  func.func @gather(%arg0: i32, %arg1: i32, %arg2: memref<8192x128xf32, #tpu.memory_space<hbm>>, %arg3: memref<4608xi32, #tpu.memory_space<hbm>>, %arg4: memref<4608x128xf32, #tpu.memory_space<hbm>>, %arg5: memref<144xi32, #tpu.memory_space<vmem>>, %arg6: memref<144x128xf32, #tpu.memory_space<vmem>>, %arg7: memref<!tpu.dma_semaphore, #tpu.memory_space<semaphore_mem>>) attributes {dimension_semantics = [#tpu.dimension_semantics<core_parallel>, #tpu.dimension_semantics<subcore_parallel>], iteration_bounds = array<i64: 2, 16>, scalar_prefetch = 0 : i64, scratch_operands = 3 : i64, tpu.core_type = #tpu.core_type<sc_vector_subcore>, window_params = [{transform_indices = #map}, {transform_indices = #map1}, {transform_indices = #map}]} {
    %mul3A = arith.constant 2 : i32
    %mul3A_0 = arith.muli %arg1, %mul3A : i32
    %add3A = arith.addi %mul3A_0, %arg0 : i32
    %mul3A_1 = arith.constant 144 : i32
    %mul3A_2 = arith.muli %add3A, %mul3A_1 : i32
    "tpu.region"() ({
      %run_scoped3A = tpu.sem_alloc : memref<!tpu.dma_semaphore, #tpu.memory_space<semaphore_mem>>
      %dma_start3A_7 = tpu.memref_slice %arg3[%mul3A_2] : memref<4608xi32, #tpu.memory_space<hbm>> -> memref<144xi32, #tpu.memory_space<hbm>>
      %dma_start3A_8 = tpu.memref_slice %arg3[%mul3A_2] : memref<4608xi32, #tpu.memory_space<hbm>> -> memref<144xi32, #tpu.memory_space<hbm>>
      tpu.enqueue_dma source(%dma_start3A_8 : memref<144xi32, #tpu.memory_space<hbm>>) target(%arg5 : memref<144xi32, #tpu.memory_space<vmem>>) target_semaphore(%run_scoped3A : memref<!tpu.dma_semaphore, #tpu.memory_space<semaphore_mem>>)
      %dma_wait3A_9 = tpu.memref_slice %arg3[%mul3A_2] : memref<4608xi32, #tpu.memory_space<hbm>> -> memref<144xi32, #tpu.memory_space<hbm>>
      %dma_wait3A_10 = tpu.memref_slice %arg3[%mul3A_2] : memref<4608xi32, #tpu.memory_space<hbm>> -> memref<144xi32, #tpu.memory_space<hbm>>
      tpu.wait_dma2 semaphore(%run_scoped3A : memref<!tpu.dma_semaphore, #tpu.memory_space<semaphore_mem>>) src(%dma_wait3A_10 : memref<144xi32, #tpu.memory_space<hbm>>) dst(%arg5 : memref<144xi32, #tpu.memory_space<vmem>>)
      tpu.yield
    }) : () -> ()
    %dma_start3A = arith.constant 0 : i32
    %dma_start3A_3 = arith.constant 0 : i32
    %dma_start3A_4 = tpu.memref_slice %arg2[%dma_start3A, %dma_start3A_3] : memref<8192x128xf32, #tpu.memory_space<hbm>> -> memref<8192x128xf32, #tpu.memory_space<hbm>>
    tpu.enqueue_indirect_dma source(%dma_start3A_4 : memref<8192x128xf32, #tpu.memory_space<hbm>>) target(%arg6 : memref<144x128xf32, #tpu.memory_space<vmem>>) offsets(%arg5 : memref<144xi32, #tpu.memory_space<vmem>>) semaphore(%arg7 : memref<!tpu.dma_semaphore, #tpu.memory_space<semaphore_mem>>)
    %dma_wait3A = arith.constant 0 : i32
    %dma_wait3A_5 = arith.constant 0 : i32
    %dma_wait3A_6 = tpu.memref_slice %arg2[%dma_wait3A, %dma_wait3A_5] : memref<8192x128xf32, #tpu.memory_space<hbm>> -> memref<8192x128xf32, #tpu.memory_space<hbm>>
    tpu.wait_indirect_dma semaphore(%arg7 : memref<!tpu.dma_semaphore, #tpu.memory_space<semaphore_mem>>) src(%dma_wait3A_6 : memref<8192x128xf32, #tpu.memory_space<hbm>>) dst(%arg6 : memref<144x128xf32, #tpu.memory_space<vmem>>)
    "tpu.region"() ({
      %run_scoped3A = tpu.sem_alloc : memref<!tpu.dma_semaphore, #tpu.memory_space<semaphore_mem>>
      %dma_start3A_7 = arith.constant 0 : i32
      %dma_start3A_8 = tpu.memref_slice %arg4[%mul3A_2, %dma_start3A_7] : memref<4608x128xf32, #tpu.memory_space<hbm>> -> memref<144x128xf32, #tpu.memory_space<hbm>>
      %dma_start3A_9 = arith.constant 0 : i32
      %dma_start3A_10 = tpu.memref_slice %arg4[%mul3A_2, %dma_start3A_9] : memref<4608x128xf32, #tpu.memory_space<hbm>> -> memref<144x128xf32, #tpu.memory_space<hbm>>
      tpu.enqueue_dma source(%arg6 : memref<144x128xf32, #tpu.memory_space<vmem>>) target(%dma_start3A_10 : memref<144x128xf32, #tpu.memory_space<hbm>>) target_semaphore(%run_scoped3A : memref<!tpu.dma_semaphore, #tpu.memory_space<semaphore_mem>>)
      %dma_wait3A_11 = arith.constant 0 : i32
      %dma_wait3A_12 = tpu.memref_slice %arg4[%mul3A_2, %dma_wait3A_11] : memref<4608x128xf32, #tpu.memory_space<hbm>> -> memref<144x128xf32, #tpu.memory_space<hbm>>
      %dma_wait3A_13 = arith.constant 0 : i32
      %dma_wait3A_14 = tpu.memref_slice %arg4[%mul3A_2, %dma_wait3A_13] : memref<4608x128xf32, #tpu.memory_space<hbm>> -> memref<144x128xf32, #tpu.memory_space<hbm>>
      tpu.wait_dma2 semaphore(%run_scoped3A : memref<!tpu.dma_semaphore, #tpu.memory_space<semaphore_mem>>) src(%arg6 : memref<144x128xf32, #tpu.memory_space<vmem>>) dst(%dma_wait3A_14 : memref<144x128xf32, #tpu.memory_space<hbm>>)
      tpu.yield
    }) : () -> ()
    return
  }
}

#map = affine_map<(d0, d1) -> (0, 0)>
#map1 = affine_map<(d0, d1) -> (0)>
module attributes {stable_mosaic.version = 14 : i64} {
  func.func @gather(%arg0: i32, %arg1: i32, %arg2: memref<8192x128xf32, #tpu.memory_space<hbm>>, %arg3: memref<4608xi32, #tpu.memory_space<hbm>>, %arg4: memref<4608x128xf32, #tpu.memory_space<hbm>>, %arg5: memref<144xi32, #tpu.memory_space<vmem>>, %arg6: memref<144x128xf32, #tpu.memory_space<vmem>>, %arg7: memref<!tpu.dma_semaphore, #tpu.memory_space<semaphore_mem>>) attributes {dimension_semantics = [#tpu.dimension_semantics<core_parallel>, #tpu.dimension_semantics<subcore_parallel>], iteration_bounds = array<i64: 2, 16>, scalar_prefetch = 0 : i64, scratch_operands = 3 : i64, tpu.core_type = #tpu.core_type<sc_vector_subcore>, window_params = [{transform_indices = #map}, {transform_indices = #map1}, {transform_indices = #map}]} {
    %mul3A = arith.constant 2 : i32
    %mul3A_0 = arith.muli %arg1, %mul3A : i32
    %add3A = arith.addi %mul3A_0, %arg0 : i32
    %mul3A_1 = arith.constant 144 : i32
    %mul3A_2 = arith.muli %add3A, %mul3A_1 : i32
    "tpu.region"() ({
      %run_scoped3A = tpu.sem_alloc : memref<!tpu.dma_semaphore, #tpu.memory_space<semaphore_mem>>
      %dma_start3A_7 = tpu.memref_slice %arg3[%mul3A_2] : memref<4608xi32, #tpu.memory_space<hbm>> -> memref<144xi32, #tpu.memory_space<hbm>>
      %dma_start3A_8 = tpu.memref_slice %arg3[%mul3A_2] : memref<4608xi32, #tpu.memory_space<hbm>> -> memref<144xi32, #tpu.memory_space<hbm>>
      tpu.enqueue_dma source(%dma_start3A_8 : memref<144xi32, #tpu.memory_space<hbm>>) target(%arg5 : memref<144xi32, #tpu.memory_space<vmem>>) target_semaphore(%run_scoped3A : memref<!tpu.dma_semaphore, #tpu.memory_space<semaphore_mem>>)
      %dma_wait3A_9 = tpu.memref_slice %arg3[%mul3A_2] : memref<4608xi32, #tpu.memory_space<hbm>> -> memref<144xi32, #tpu.memory_space<hbm>>
      %dma_wait3A_10 = tpu.memref_slice %arg3[%mul3A_2] : memref<4608xi32, #tpu.memory_space<hbm>> -> memref<144xi32, #tpu.memory_space<hbm>>
      tpu.wait_dma2 semaphore(%run_scoped3A : memref<!tpu.dma_semaphore, #tpu.memory_space<semaphore_mem>>) src(%dma_wait3A_10 : memref<144xi32, #tpu.memory_space<hbm>>) dst(%arg5 : memref<144xi32, #tpu.memory_space<vmem>>)
      tpu.yield
    }) : () -> ()
    %dma_start3A = arith.constant 0 : i32
    %dma_start3A_3 = arith.constant 0 : i32
    %dma_start3A_4 = tpu.memref_slice %arg2[%dma_start3A, %dma_start3A_3] : memref<8192x128xf32, #tpu.memory_space<hbm>> -> memref<8192x128xf32, #tpu.memory_space<hbm>>
    tpu.enqueue_indirect_dma source(%dma_start3A_4 : memref<8192x128xf32, #tpu.memory_space<hbm>>) target(%arg6 : memref<144x128xf32, #tpu.memory_space<vmem>>) offsets(%arg5 : memref<144xi32, #tpu.memory_space<vmem>>) semaphore(%arg7 : memref<!tpu.dma_semaphore, #tpu.memory_space<semaphore_mem>>)
    %dma_wait3A = arith.constant 0 : i32
    %dma_wait3A_5 = arith.constant 0 : i32
    %dma_wait3A_6 = tpu.memref_slice %arg2[%dma_wait3A, %dma_wait3A_5] : memref<8192x128xf32, #tpu.memory_space<hbm>> -> memref<8192x128xf32, #tpu.memory_space<hbm>>
    tpu.wait_indirect_dma semaphore(%arg7 : memref<!tpu.dma_semaphore, #tpu.memory_space<semaphore_mem>>) src(%dma_wait3A_6 : memref<8192x128xf32, #tpu.memory_space<hbm>>) dst(%arg6 : memref<144x128xf32, #tpu.memory_space<vmem>>)
    "tpu.region"() ({
      %run_scoped3A = tpu.sem_alloc : memref<!tpu.dma_semaphore, #tpu.memory_space<semaphore_mem>>
      %dma_start3A_7 = arith.constant 0 : i32
      %dma_start3A_8 = tpu.memref_slice %arg4[%mul3A_2, %dma_start3A_7] : memref<4608x128xf32, #tpu.memory_space<hbm>> -> memref<144x128xf32, #tpu.memory_space<hbm>>
      %dma_start3A_9 = arith.constant 0 : i32
      %dma_start3A_10 = tpu.memref_slice %arg4[%mul3A_2, %dma_start3A_9] : memref<4608x128xf32, #tpu.memory_space<hbm>> -> memref<144x128xf32, #tpu.memory_space<hbm>>
      tpu.enqueue_dma source(%arg6 : memref<144x128xf32, #tpu.memory_space<vmem>>) target(%dma_start3A_10 : memref<144x128xf32, #tpu.memory_space<hbm>>) target_semaphore(%run_scoped3A : memref<!tpu.dma_semaphore, #tpu.memory_space<semaphore_mem>>)
      %dma_wait3A_11 = arith.constant 0 : i32
      %dma_wait3A_12 = tpu.memref_slice %arg4[%mul3A_2, %dma_wait3A_11] : memref<4608x128xf32, #tpu.memory_space<hbm>> -> memref<144x128xf32, #tpu.memory_space<hbm>>
      %dma_wait3A_13 = arith.constant 0 : i32
      %dma_wait3A_14 = tpu.memref_slice %arg4[%mul3A_2, %dma_wait3A_13] : memref<4608x128xf32, #tpu.memory_space<hbm>> -> memref<144x128xf32, #tpu.memory_space<hbm>>
      tpu.wait_dma2 semaphore(%run_scoped3A : memref<!tpu.dma_semaphore, #tpu.memory_space<semaphore_mem>>) src(%arg6 : memref<144x128xf32, #tpu.memory_space<vmem>>) dst(%dma_wait3A_14 : memref<144x128xf32, #tpu.memory_space<hbm>>)
      tpu.yield
    }) : () -> ()
    return
  }
}

module attributes {stable_mosaic.version = 14 : i64} {
  func.func @_argmin_body(%arg0: i32, %arg1: memref<768x32xf32, #tpu.memory_space<vmem>>, %arg2: memref<768x128xf32, #tpu.memory_space<vmem>>, %arg3: memref<32x8192xbf16, #tpu.memory_space<vmem>>, %arg4: memref<1x8192xf32, #tpu.memory_space<vmem>>, %arg5: memref<768x32xf32, #tpu.memory_space<vmem>>, %arg6: memref<4608xi32, #tpu.memory_space<vmem>>, %arg7: memref<1x1xf32, #tpu.memory_space<smem>>) attributes {dimension_semantics = [#tpu.dimension_semantics<arbitrary>], iteration_bounds = array<i64: 6>, scalar_prefetch = 0 : i64, scratch_operands = 0 : i64, tpu.core_type = #tpu.core_type<tc>, window_params = [{transform_indices = @transform_0, window_bounds = array<i64: 768, 32>}, {transform_indices = @transform_1, window_bounds = array<i64: 768, 128>}, {pipeline_mode = #tpu.pipeline_mode<synchronous>, transform_indices = @transform_2, window_bounds = array<i64: 32, 8192>}, {pipeline_mode = #tpu.pipeline_mode<synchronous>, transform_indices = @transform_3, window_bounds = array<i64: 1, 8192>}, {transform_indices = @transform_4, window_bounds = array<i64: 768, 32>}, {pipeline_mode = #tpu.pipeline_mode<synchronous>, transform_indices = @transform_5, window_bounds = array<i64: 4608>}, {transform_indices = @transform_6, window_bounds = array<i64: 1, 1>}]} {
    %eq3A = arith.constant 0 : i32
    %eq3A_0 = arith.cmpi eq, %arg0, %eq3A : i32
    %convert_element_type3A = arith.extui %eq3A_0 : i1 to i32
    %cond3A = arith.constant 0 : i32
    %cond3A_1 = arith.cmpi ne, %convert_element_type3A, %cond3A : i32
    scf.if %cond3A_1 {
      %swap3A_158 = arith.constant 0.000000e+00 : f32
      %swap3A_159 = arith.constant 0 : index
      %swap3A_160 = arith.constant 0 : index
      %swap3A_161 = memref.load %arg7[%swap3A_159, %swap3A_160] : memref<1x1xf32, #tpu.memory_space<smem>>
      memref.store %swap3A_158, %arg7[%swap3A_159, %swap3A_160] : memref<1x1xf32, #tpu.memory_space<smem>>
    } else {
    }
    %get3A = arith.constant 0 : index
    %get3A_2 = arith.constant 0 : index
    %get3A_3 = vector.load %arg1[%get3A, %get3A_2] : memref<768x32xf32, #tpu.memory_space<vmem>>, vector<768x32xf32>
    %get3A_4 = arith.constant 0 : index
    %get3A_5 = arith.constant 0 : index
    %get3A_6 = vector.load %arg2[%get3A_4, %get3A_5] : memref<768x128xf32, #tpu.memory_space<vmem>>, vector<768x32xf32>
    %sub3A = arith.subf %get3A_6, %get3A_3 : vector<768x32xf32>
    %add3A = arith.addf %get3A_3, %sub3A : vector<768x32xf32>
    %sub3A_7 = arith.subf %get3A_3, %add3A : vector<768x32xf32>
    %swap3A = arith.constant 0 : index
    %swap3A_8 = arith.constant 0 : index
    %swap3A_9 = vector.load %arg5[%swap3A, %swap3A_8] : memref<768x32xf32, #tpu.memory_space<vmem>>, vector<768x32xf32>
    tpu.vector_store %arg5[%swap3A, %swap3A_8], %sub3A_7 {strides = array<i32>} : memref<768x32xf32, #tpu.memory_space<vmem>>, vector<768x32xf32>,
    %get3A_10 = arith.constant 0 : index
    %get3A_11 = arith.constant 0 : index
    %get3A_12 = memref.load %arg7[%get3A_10, %get3A_11] : memref<1x1xf32, #tpu.memory_space<smem>>
    %mul3A = arith.mulf %sub3A_7, %sub3A_7 : vector<768x32xf32>
    %reduce_sum3A = vector.shape_cast %mul3A : vector<768x32xf32> to vector<1x768x32xf32>
    %reduce_sum3A_13 = arith.constant dense<0.000000e+00> : vector<1xf32>
    %reduce_sum3A_14 = vector.multi_reduction <add>, %reduce_sum3A, %reduce_sum3A_13 [1, 2] : vector<1x768x32xf32> to vector<1xf32>
    %reduce_sum3A_15 = vector.shape_cast %reduce_sum3A_14 : vector<1xf32> to vector<1x1x1xf32>
    %reduce_sum3A_16 = vector.extract %reduce_sum3A_15[0, 0, 0] : f32 from vector<1x1x1xf32>
    %add3A_17 = arith.addf %get3A_12, %reduce_sum3A_16 : f32
    %swap3A_18 = arith.constant 0 : index
    %swap3A_19 = arith.constant 0 : index
    %swap3A_20 = memref.load %arg7[%swap3A_18, %swap3A_19] : memref<1x1xf32, #tpu.memory_space<smem>>
    memref.store %add3A_17, %arg7[%swap3A_18, %swap3A_19] : memref<1x1xf32, #tpu.memory_space<smem>>
    %convert_element_type3A_21 = arith.truncf %sub3A_7 : vector<768x32xf32> to vector<768x32xbf16>
    %broadcast_in_dim3A = arith.constant 0x7F800000 : f32
    %broadcast_in_dim3A_22 = vector.broadcast %broadcast_in_dim3A : f32 to vector<768x1024xf32>
    %broadcast_in_dim3A_23 = arith.constant 0.000000e+00 : f32
    %broadcast_in_dim3A_24 = vector.broadcast %broadcast_in_dim3A_23 : f32 to vector<768x1024xf32>
    %get3A_25 = arith.constant 0 : index
    %get3A_26 = arith.constant 0 : index
    %get3A_27 = vector.load %arg3[%get3A_25, %get3A_26] : memref<32x8192xbf16, #tpu.memory_space<vmem>>, vector<32x1024xbf16>
    %dot_general3A = arith.constant dense<0.000000e+00> : vector<768x1024xf32>
    %dot_general3A_28 = tpu.matmul %convert_element_type3A_21, %get3A_27, %dot_general3A {dimension_numbers = #tpu.dot_dimension_numbers<[1], [0], [0], [1], [0, 0, 1, 1], [], []>, transpose_lhs_hint = false} : vector<768x32xbf16>, vector<32x1024xbf16>, vector<768x1024xf32> -> vector<768x1024xf32>
    %get3A_29 = arith.constant 0 : index
    %get3A_30 = arith.constant 0 : index
    %get3A_31 = vector.load %arg4[%get3A_29, %get3A_30] : memref<1x8192xf32, #tpu.memory_space<vmem>>, vector<1x1024xf32>
    %add3A_32 = vector.broadcast %get3A_31 : vector<1x1024xf32> to vector<768x1024xf32>
    %add3A_33 = arith.addf %add3A_32, %dot_general3A_28 : vector<768x1024xf32>
    %get3A_34 = arith.constant 0 : index
    %get3A_35 = arith.constant 1024 : index
    %get3A_36 = vector.load %arg3[%get3A_34, %get3A_35] : memref<32x8192xbf16, #tpu.memory_space<vmem>>, vector<32x1024xbf16>
    %dot_general3A_37 = arith.constant dense<0.000000e+00> : vector<768x1024xf32>
    %dot_general3A_38 = tpu.matmul %convert_element_type3A_21, %get3A_36, %dot_general3A_37 {dimension_numbers = #tpu.dot_dimension_numbers<[1], [0], [0], [1], [0, 0, 1, 1], [], []>, transpose_lhs_hint = false} : vector<768x32xbf16>, vector<32x1024xbf16>, vector<768x1024xf32> -> vector<768x1024xf32>
    %get3A_39 = arith.constant 0 : index
    %get3A_40 = arith.constant 1024 : index
    %get3A_41 = vector.load %arg4[%get3A_39, %get3A_40] : memref<1x8192xf32, #tpu.memory_space<vmem>>, vector<1x1024xf32>
    %add3A_42 = vector.broadcast %get3A_41 : vector<1x1024xf32> to vector<768x1024xf32>
    %add3A_43 = arith.addf %add3A_42, %dot_general3A_38 : vector<768x1024xf32>
    %lt3A = arith.cmpf olt, %add3A_43, %add3A_33 : vector<768x1024xf32>
    %min3A = arith.minimumf %add3A_33, %add3A_43 : vector<768x1024xf32>
    %jit3A = arith.constant 1.000000e+00 : f32
    %jit3A_44 = arith.constant 0.000000e+00 : f32
    %broadcast_in_dim3A_45 = vector.broadcast %jit3A : f32 to vector<768x1024xf32>
    %broadcast_in_dim3A_46 = vector.broadcast %jit3A_44 : f32 to vector<768x1024xf32>
    %select_n3A = arith.select %lt3A, %broadcast_in_dim3A_45, %broadcast_in_dim3A_46 : vector<768x1024xi1>, vector<768x1024xf32>
    %lt3A_47 = arith.cmpf olt, %min3A, %broadcast_in_dim3A_22 : vector<768x1024xf32>
    %select_n3A_48 = arith.select %lt3A_47, %min3A, %broadcast_in_dim3A_22 : vector<768x1024xi1>, vector<768x1024xf32>
    %select_n3A_49 = arith.select %lt3A_47, %select_n3A, %broadcast_in_dim3A_24 : vector<768x1024xi1>, vector<768x1024xf32>
    %get3A_50 = arith.constant 0 : index
    %get3A_51 = arith.constant 2048 : index
    %get3A_52 = vector.load %arg3[%get3A_50, %get3A_51] : memref<32x8192xbf16, #tpu.memory_space<vmem>>, vector<32x1024xbf16>
    %dot_general3A_53 = arith.constant dense<0.000000e+00> : vector<768x1024xf32>
    %dot_general3A_54 = tpu.matmul %convert_element_type3A_21, %get3A_52, %dot_general3A_53 {dimension_numbers = #tpu.dot_dimension_numbers<[1], [0], [0], [1], [0, 0, 1, 1], [], []>, transpose_lhs_hint = false} : vector<768x32xbf16>, vector<32x1024xbf16>, vector<768x1024xf32> -> vector<768x1024xf32>
    %get3A_55 = arith.constant 0 : index
    %get3A_56 = arith.constant 2048 : index
    %get3A_57 = vector.load %arg4[%get3A_55, %get3A_56] : memref<1x8192xf32, #tpu.memory_space<vmem>>, vector<1x1024xf32>
    %add3A_58 = vector.broadcast %get3A_57 : vector<1x1024xf32> to vector<768x1024xf32>
    %add3A_59 = arith.addf %add3A_58, %dot_general3A_54 : vector<768x1024xf32>
    %get3A_60 = arith.constant 0 : index
    %get3A_61 = arith.constant 3072 : index
    %get3A_62 = vector.load %arg3[%get3A_60, %get3A_61] : memref<32x8192xbf16, #tpu.memory_space<vmem>>, vector<32x1024xbf16>
    %dot_general3A_63 = arith.constant dense<0.000000e+00> : vector<768x1024xf32>
    %dot_general3A_64 = tpu.matmul %convert_element_type3A_21, %get3A_62, %dot_general3A_63 {dimension_numbers = #tpu.dot_dimension_numbers<[1], [0], [0], [1], [0, 0, 1, 1], [], []>, transpose_lhs_hint = false} : vector<768x32xbf16>, vector<32x1024xbf16>, vector<768x1024xf32> -> vector<768x1024xf32>
    %get3A_65 = arith.constant 0 : index
    %get3A_66 = arith.constant 3072 : index
    %get3A_67 = vector.load %arg4[%get3A_65, %get3A_66] : memref<1x8192xf32, #tpu.memory_space<vmem>>, vector<1x1024xf32>
    %add3A_68 = vector.broadcast %get3A_67 : vector<1x1024xf32> to vector<768x1024xf32>
    %add3A_69 = arith.addf %add3A_68, %dot_general3A_64 : vector<768x1024xf32>
    %lt3A_70 = arith.cmpf olt, %add3A_69, %add3A_59 : vector<768x1024xf32>
    %min3A_71 = arith.minimumf %add3A_59, %add3A_69 : vector<768x1024xf32>
    %jit3A_72 = arith.constant 3.000000e+00 : f32
    %jit3A_73 = arith.constant 2.000000e+00 : f32
    %broadcast_in_dim3A_74 = vector.broadcast %jit3A_72 : f32 to vector<768x1024xf32>
    %broadcast_in_dim3A_75 = vector.broadcast %jit3A_73 : f32 to vector<768x1024xf32>
    %select_n3A_76 = arith.select %lt3A_70, %broadcast_in_dim3A_74, %broadcast_in_dim3A_75 : vector<768x1024xi1>, vector<768x1024xf32>
    %lt3A_77 = arith.cmpf olt, %min3A_71, %select_n3A_48 : vector<768x1024xf32>
    %select_n3A_78 = arith.select %lt3A_77, %min3A_71, %select_n3A_48 : vector<768x1024xi1>, vector<768x1024xf32>
    %select_n3A_79 = arith.select %lt3A_77, %select_n3A_76, %select_n3A_49 : vector<768x1024xi1>, vector<768x1024xf32>
    %get3A_80 = arith.constant 0 : index
    %get3A_81 = arith.constant 4096 : index
    %get3A_82 = vector.load %arg3[%get3A_80, %get3A_81] : memref<32x8192xbf16, #tpu.memory_space<vmem>>, vector<32x1024xbf16>
    %dot_general3A_83 = arith.constant dense<0.000000e+00> : vector<768x1024xf32>
    %dot_general3A_84 = tpu.matmul %convert_element_type3A_21, %get3A_82, %dot_general3A_83 {dimension_numbers = #tpu.dot_dimension_numbers<[1], [0], [0], [1], [0, 0, 1, 1], [], []>, transpose_lhs_hint = false} : vector<768x32xbf16>, vector<32x1024xbf16>, vector<768x1024xf32> -> vector<768x1024xf32>
    %get3A_85 = arith.constant 0 : index
    %get3A_86 = arith.constant 4096 : index
    %get3A_87 = vector.load %arg4[%get3A_85, %get3A_86] : memref<1x8192xf32, #tpu.memory_space<vmem>>, vector<1x1024xf32>
    %add3A_88 = vector.broadcast %get3A_87 : vector<1x1024xf32> to vector<768x1024xf32>
    %add3A_89 = arith.addf %add3A_88, %dot_general3A_84 : vector<768x1024xf32>
    %get3A_90 = arith.constant 0 : index
    %get3A_91 = arith.constant 5120 : index
    %get3A_92 = vector.load %arg3[%get3A_90, %get3A_91] : memref<32x8192xbf16, #tpu.memory_space<vmem>>, vector<32x1024xbf16>
    %dot_general3A_93 = arith.constant dense<0.000000e+00> : vector<768x1024xf32>
    %dot_general3A_94 = tpu.matmul %convert_element_type3A_21, %get3A_92, %dot_general3A_93 {dimension_numbers = #tpu.dot_dimension_numbers<[1], [0], [0], [1], [0, 0, 1, 1], [], []>, transpose_lhs_hint = false} : vector<768x32xbf16>, vector<32x1024xbf16>, vector<768x1024xf32> -> vector<768x1024xf32>
    %get3A_95 = arith.constant 0 : index
    %get3A_96 = arith.constant 5120 : index
    %get3A_97 = vector.load %arg4[%get3A_95, %get3A_96] : memref<1x8192xf32, #tpu.memory_space<vmem>>, vector<1x1024xf32>
    %add3A_98 = vector.broadcast %get3A_97 : vector<1x1024xf32> to vector<768x1024xf32>
    %add3A_99 = arith.addf %add3A_98, %dot_general3A_94 : vector<768x1024xf32>
    %lt3A_100 = arith.cmpf olt, %add3A_99, %add3A_89 : vector<768x1024xf32>
    %min3A_101 = arith.minimumf %add3A_89, %add3A_99 : vector<768x1024xf32>
    %jit3A_102 = arith.constant 5.000000e+00 : f32
    %jit3A_103 = arith.constant 4.000000e+00 : f32
    %broadcast_in_dim3A_104 = vector.broadcast %jit3A_102 : f32 to vector<768x1024xf32>
    %broadcast_in_dim3A_105 = vector.broadcast %jit3A_103 : f32 to vector<768x1024xf32>
    %select_n3A_106 = arith.select %lt3A_100, %broadcast_in_dim3A_104, %broadcast_in_dim3A_105 : vector<768x1024xi1>, vector<768x1024xf32>
    %lt3A_107 = arith.cmpf olt, %min3A_101, %select_n3A_78 : vector<768x1024xf32>
    %select_n3A_108 = arith.select %lt3A_107, %min3A_101, %select_n3A_78 : vector<768x1024xi1>, vector<768x1024xf32>
    %select_n3A_109 = arith.select %lt3A_107, %select_n3A_106, %select_n3A_79 : vector<768x1024xi1>, vector<768x1024xf32>
    %get3A_110 = arith.constant 0 : index
    %get3A_111 = arith.constant 6144 : index
    %get3A_112 = vector.load %arg3[%get3A_110, %get3A_111] : memref<32x8192xbf16, #tpu.memory_space<vmem>>, vector<32x1024xbf16>
    %dot_general3A_113 = arith.constant dense<0.000000e+00> : vector<768x1024xf32>
    %dot_general3A_114 = tpu.matmul %convert_element_type3A_21, %get3A_112, %dot_general3A_113 {dimension_numbers = #tpu.dot_dimension_numbers<[1], [0], [0], [1], [0, 0, 1, 1], [], []>, transpose_lhs_hint = false} : vector<768x32xbf16>, vector<32x1024xbf16>, vector<768x1024xf32> -> vector<768x1024xf32>
    %get3A_115 = arith.constant 0 : index
    %get3A_116 = arith.constant 6144 : index
    %get3A_117 = vector.load %arg4[%get3A_115, %get3A_116] : memref<1x8192xf32, #tpu.memory_space<vmem>>, vector<1x1024xf32>
    %add3A_118 = vector.broadcast %get3A_117 : vector<1x1024xf32> to vector<768x1024xf32>
    %add3A_119 = arith.addf %add3A_118, %dot_general3A_114 : vector<768x1024xf32>
    %get3A_120 = arith.constant 0 : index
    %get3A_121 = arith.constant 7168 : index
    %get3A_122 = vector.load %arg3[%get3A_120, %get3A_121] : memref<32x8192xbf16, #tpu.memory_space<vmem>>, vector<32x1024xbf16>
    %dot_general3A_123 = arith.constant dense<0.000000e+00> : vector<768x1024xf32>
    %dot_general3A_124 = tpu.matmul %convert_element_type3A_21, %get3A_122, %dot_general3A_123 {dimension_numbers = #tpu.dot_dimension_numbers<[1], [0], [0], [1], [0, 0, 1, 1], [], []>, transpose_lhs_hint = false} : vector<768x32xbf16>, vector<32x1024xbf16>, vector<768x1024xf32> -> vector<768x1024xf32>
    %get3A_125 = arith.constant 0 : index
    %get3A_126 = arith.constant 7168 : index
    %get3A_127 = vector.load %arg4[%get3A_125, %get3A_126] : memref<1x8192xf32, #tpu.memory_space<vmem>>, vector<1x1024xf32>
    %add3A_128 = vector.broadcast %get3A_127 : vector<1x1024xf32> to vector<768x1024xf32>
    %add3A_129 = arith.addf %add3A_128, %dot_general3A_124 : vector<768x1024xf32>
    %lt3A_130 = arith.cmpf olt, %add3A_129, %add3A_119 : vector<768x1024xf32>
    %min3A_131 = arith.minimumf %add3A_119, %add3A_129 : vector<768x1024xf32>
    %jit3A_132 = arith.constant 7.000000e+00 : f32
    %jit3A_133 = arith.constant 6.000000e+00 : f32
    %broadcast_in_dim3A_134 = vector.broadcast %jit3A_132 : f32 to vector<768x1024xf32>
    %broadcast_in_dim3A_135 = vector.broadcast %jit3A_133 : f32 to vector<768x1024xf32>
    %select_n3A_136 = arith.select %lt3A_130, %broadcast_in_dim3A_134, %broadcast_in_dim3A_135 : vector<768x1024xi1>, vector<768x1024xf32>
    %lt3A_137 = arith.cmpf olt, %min3A_131, %select_n3A_108 : vector<768x1024xf32>
    %select_n3A_138 = arith.select %lt3A_137, %min3A_131, %select_n3A_108 : vector<768x1024xi1>, vector<768x1024xf32>
    %select_n3A_139 = arith.select %lt3A_137, %select_n3A_136, %select_n3A_109 : vector<768x1024xi1>, vector<768x1024xf32>
    %reduce_min3A = arith.constant dense<0x7F800000> : vector<768xf32>
    %reduce_min3A_140 = vector.multi_reduction <minimumf>, %select_n3A_138, %reduce_min3A [1] : vector<768x1024xf32> to vector<768xf32>
    %iota3A = tpu.iota {dimensions = array<i32: 1>} : vector<768x1024xi32>
    %convert_element_type3A_141 = arith.sitofp %iota3A : vector<768x1024xi32> to vector<768x1024xf32>
    %mul3A_142 = arith.constant 1.024000e+03 : f32
    %mul3A_143 = vector.broadcast %mul3A_142 : f32 to vector<768x1024xf32>
    %mul3A_144 = arith.mulf %select_n3A_139, %mul3A_143 : vector<768x1024xf32>
    %add3A_145 = arith.addf %mul3A_144, %convert_element_type3A_141 : vector<768x1024xf32>
    %broadcast_in_dim3A_146 = vector.shape_cast %reduce_min3A_140 : vector<768xf32> to vector<768x1xf32>
    %le3A = vector.broadcast %broadcast_in_dim3A_146 : vector<768x1xf32> to vector<768x1024xf32>
    %le3A_147 = arith.cmpf ole, %select_n3A_138, %le3A : vector<768x1024xf32>
    %jit3A_148 = arith.constant 1.638400e+04 : f32
    %broadcast_in_dim3A_149 = vector.broadcast %jit3A_148 : f32 to vector<768x1024xf32>
    %select_n3A_150 = arith.select %le3A_147, %add3A_145, %broadcast_in_dim3A_149 : vector<768x1024xi1>, vector<768x1024xf32>
    %reduce_min3A_151 = arith.constant dense<0x7F800000> : vector<768xf32>
    %reduce_min3A_152 = vector.multi_reduction <minimumf>, %select_n3A_150, %reduce_min3A_151 [1] : vector<768x1024xf32> to vector<768xf32>
    %convert_element_type3A_153 = arith.fptosi %reduce_min3A_152 : vector<768xf32> to vector<768xi32>
    %mul3A_154 = arith.constant 768 : i32
    %mul3A_155 = arith.muli %arg0, %mul3A_154 : i32
    %swap3A_156 = arith.index_cast %mul3A_155 : i32 to index
    %swap3A_157 = vector.load %arg6[%swap3A_156] : memref<4608xi32, #tpu.memory_space<vmem>>, vector<768xi32>
    tpu.vector_store %arg6[%swap3A_156], %convert_element_type3A_153 {strides = array<i32>} : memref<4608xi32, #tpu.memory_space<vmem>>, vector<768xi32>,
    return
  }
  func.func @transform_0(%arg0: i32) -> (i32, i32) {
    %c0_i32 = arith.constant 0 : i32
    %c0_i32_0 = arith.constant 0 : i32
    return %arg0, %c0_i32 : i32, i32
  }
  func.func @transform_1(%arg0: i32) -> (i32, i32) {
    %c0_i32 = arith.constant 0 : i32
    %c0_i32_0 = arith.constant 0 : i32
    return %arg0, %c0_i32 : i32, i32
  }
  func.func @transform_2(%arg0: i32) -> (i32, i32) {
    %c0_i32 = arith.constant 0 : i32
    %c0_i32_0 = arith.constant 0 : i32
    %c0_i32_1 = arith.constant 0 : i32
    return %c0_i32, %c0_i32_0 : i32, i32
  }
  func.func @transform_3(%arg0: i32) -> (i32, i32) {
    %c0_i32 = arith.constant 0 : i32
    %c0_i32_0 = arith.constant 0 : i32
    %c0_i32_1 = arith.constant 0 : i32
    return %c0_i32, %c0_i32_0 : i32, i32
  }
  func.func @transform_4(%arg0: i32) -> (i32, i32) {
    %c0_i32 = arith.constant 0 : i32
    %c0_i32_0 = arith.constant 0 : i32
    return %arg0, %c0_i32 : i32, i32
  }
  func.func @transform_5(%arg0: i32) -> i32 {
    %c0_i32 = arith.constant 0 : i32
    %c0_i32_0 = arith.constant 0 : i32
    return %c0_i32 : i32
  }
  func.func @transform_6(%arg0: i32) -> (i32, i32) {
    %c0_i32 = arith.constant 0 : i32
    %c0_i32_0 = arith.constant 0 : i32
    %c0_i32_1 = arith.constant 0 : i32
    return %c0_i32, %c0_i32_0 : i32, i32
  }
}

module attributes {stable_mosaic.version = 14 : i64} {
  func.func @body(%arg0: i32, %arg1: memref<768x32xf32, #tpu.memory_space<vmem>>, %arg2: memref<768x32xf32, #tpu.memory_space<vmem>>, %arg3: memref<768x128xf32, #tpu.memory_space<vmem>>, %arg4: memref<1x3xf32, #tpu.memory_space<smem>>, %arg5: memref<768x32xf32, #tpu.memory_space<vmem>>, %arg6: memref<1x1xf32, #tpu.memory_space<smem>>) attributes {dimension_semantics = [#tpu.dimension_semantics<arbitrary>], iteration_bounds = array<i64: 6>, scalar_prefetch = 0 : i64, scratch_operands = 0 : i64, tpu.core_type = #tpu.core_type<tc>, window_params = [{transform_indices = @transform_0, window_bounds = array<i64: 768, 32>}, {transform_indices = @transform_1, window_bounds = array<i64: 768, 32>}, {transform_indices = @transform_2, window_bounds = array<i64: 768, 128>}, {transform_indices = @transform_3, window_bounds = array<i64: 1, 3>}, {transform_indices = @transform_4, window_bounds = array<i64: 768, 32>}, {transform_indices = @transform_5, window_bounds = array<i64: 1, 1>}]} {
    %eq3A = arith.constant 0 : i32
    %eq3A_0 = arith.cmpi eq, %arg0, %eq3A : i32
    %convert_element_type3A = arith.extui %eq3A_0 : i1 to i32
    %cond3A = arith.constant 0 : i32
    %cond3A_1 = arith.cmpi ne, %convert_element_type3A, %cond3A : i32
    scf.if %cond3A_1 {
      %swap3A_30 = arith.constant 0.000000e+00 : f32
      %swap3A_31 = arith.constant 0 : index
      %swap3A_32 = arith.constant 0 : index
      %swap3A_33 = memref.load %arg6[%swap3A_31, %swap3A_32] : memref<1x1xf32, #tpu.memory_space<smem>>
      memref.store %swap3A_30, %arg6[%swap3A_31, %swap3A_32] : memref<1x1xf32, #tpu.memory_space<smem>>
    } else {
    }
    %get3A = arith.constant 0 : index
    %get3A_2 = arith.constant 0 : index
    %get3A_3 = vector.load %arg2[%get3A, %get3A_2] : memref<768x32xf32, #tpu.memory_space<vmem>>, vector<768x32xf32>
    %get3A_4 = arith.constant 0 : index
    %get3A_5 = arith.constant 0 : index
    %get3A_6 = vector.load %arg3[%get3A_4, %get3A_5] : memref<768x128xf32, #tpu.memory_space<vmem>>, vector<768x32xf32>
    %sub3A = arith.subf %get3A_6, %get3A_3 : vector<768x32xf32>
    %add3A = arith.addf %get3A_3, %sub3A : vector<768x32xf32>
    %sub3A_7 = arith.subf %get3A_3, %add3A : vector<768x32xf32>
    %get3A_8 = arith.constant 0 : index
    %get3A_9 = arith.constant 0 : index
    %get3A_10 = vector.load %arg1[%get3A_8, %get3A_9] : memref<768x32xf32, #tpu.memory_space<vmem>>, vector<768x32xf32>
    %sub3A_11 = arith.subf %get3A_10, %sub3A_7 : vector<768x32xf32>
    %swap3A = arith.constant 0 : index
    %swap3A_12 = arith.constant 0 : index
    %swap3A_13 = vector.load %arg5[%swap3A, %swap3A_12] : memref<768x32xf32, #tpu.memory_space<vmem>>, vector<768x32xf32>
    tpu.vector_store %arg5[%swap3A, %swap3A_12], %sub3A_11 {strides = array<i32>} : memref<768x32xf32, #tpu.memory_space<vmem>>, vector<768x32xf32>,
    %get3A_14 = arith.constant 0 : index
    %get3A_15 = arith.constant 0 : index
    %get3A_16 = memref.load %arg6[%get3A_14, %get3A_15] : memref<1x1xf32, #tpu.memory_space<smem>>
    %mul3A = arith.mulf %sub3A_7, %sub3A_7 : vector<768x32xf32>
    %reduce_sum3A = vector.shape_cast %mul3A : vector<768x32xf32> to vector<1x768x32xf32>
    %reduce_sum3A_17 = arith.constant dense<0.000000e+00> : vector<1xf32>
    %reduce_sum3A_18 = vector.multi_reduction <add>, %reduce_sum3A, %reduce_sum3A_17 [1, 2] : vector<1x768x32xf32> to vector<1xf32>
    %reduce_sum3A_19 = vector.shape_cast %reduce_sum3A_18 : vector<1xf32> to vector<1x1x1xf32>
    %reduce_sum3A_20 = vector.extract %reduce_sum3A_19[0, 0, 0] : f32 from vector<1x1x1xf32>
    %add3A_21 = arith.addf %get3A_16, %reduce_sum3A_20 : f32
    %swap3A_22 = arith.constant 0 : index
    %swap3A_23 = arith.constant 0 : index
    %swap3A_24 = memref.load %arg6[%swap3A_22, %swap3A_23] : memref<1x1xf32, #tpu.memory_space<smem>>
    memref.store %add3A_21, %arg6[%swap3A_22, %swap3A_23] : memref<1x1xf32, #tpu.memory_space<smem>>
    %eq3A_25 = arith.constant 5 : i32
    %eq3A_26 = arith.cmpi eq, %arg0, %eq3A_25 : i32
    %convert_element_type3A_27 = arith.extui %eq3A_26 : i1 to i32
    %cond3A_28 = arith.constant 0 : i32
    %cond3A_29 = arith.cmpi ne, %convert_element_type3A_27, %cond3A_28 : i32
    scf.if %cond3A_29 {
      %get3A_30 = arith.constant 0 : index
      %get3A_31 = arith.constant 0 : index
      %get3A_32 = memref.load %arg6[%get3A_30, %get3A_31] : memref<1x1xf32, #tpu.memory_space<smem>>
      %get3A_33 = arith.constant 0 : index
      %get3A_34 = arith.constant 0 : index
      %get3A_35 = memref.load %arg4[%get3A_33, %get3A_34] : memref<1x3xf32, #tpu.memory_space<smem>>
      %add3A_36 = arith.addf %get3A_32, %get3A_35 : f32
      %get3A_37 = arith.constant 0 : index
      %get3A_38 = arith.constant 1 : index
      %get3A_39 = memref.load %arg4[%get3A_37, %get3A_38] : memref<1x3xf32, #tpu.memory_space<smem>>
      %add3A_40 = arith.addf %add3A_36, %get3A_39 : f32
      %get3A_41 = arith.constant 0 : index
      %get3A_42 = arith.constant 2 : index
      %get3A_43 = memref.load %arg4[%get3A_41, %get3A_42] : memref<1x3xf32, #tpu.memory_space<smem>>
      %add3A_44 = arith.addf %add3A_40, %get3A_43 : f32
      %mul3A_45 = arith.constant 2.000000e+00 : f32
      %mul3A_46 = arith.mulf %mul3A_45, %add3A_44 : f32
      %div3A = arith.constant 1.474560e+05 : f32
      %div3A_47 = arith.divf %mul3A_46, %div3A : f32
      %swap3A_48 = arith.constant 0 : index
      %swap3A_49 = arith.constant 0 : index
      %swap3A_50 = memref.load %arg6[%swap3A_48, %swap3A_49] : memref<1x1xf32, #tpu.memory_space<smem>>
      memref.store %div3A_47, %arg6[%swap3A_48, %swap3A_49] : memref<1x1xf32, #tpu.memory_space<smem>>
    } else {
    }
    return
  }
  func.func @transform_0(%arg0: i32) -> (i32, i32) {
    %c0_i32 = arith.constant 0 : i32
    %c0_i32_0 = arith.constant 0 : i32
    return %arg0, %c0_i32 : i32, i32
  }
  func.func @transform_1(%arg0: i32) -> (i32, i32) {
    %c0_i32 = arith.constant 0 : i32
    %c0_i32_0 = arith.constant 0 : i32
    return %arg0, %c0_i32 : i32, i32
  }
  func.func @transform_2(%arg0: i32) -> (i32, i32) {
    %c0_i32 = arith.constant 0 : i32
    %c0_i32_0 = arith.constant 0 : i32
    return %arg0, %c0_i32 : i32, i32
  }
  func.func @transform_3(%arg0: i32) -> (i32, i32) {
    %c0_i32 = arith.constant 0 : i32
    %c0_i32_0 = arith.constant 0 : i32
    %c0_i32_1 = arith.constant 0 : i32
    return %c0_i32, %c0_i32_0 : i32, i32
  }
  func.func @transform_4(%arg0: i32) -> (i32, i32) {
    %c0_i32 = arith.constant 0 : i32
    %c0_i32_0 = arith.constant 0 : i32
    return %arg0, %c0_i32 : i32, i32
  }
  func.func @transform_5(%arg0: i32) -> (i32, i32) {
    %c0_i32 = arith.constant 0 : i32
    %c0_i32_0 = arith.constant 0 : i32
    %c0_i32_1 = arith.constant 0 : i32
    return %c0_i32, %c0_i32_0 : i32, i32
  }
}

</mosaic_0001>

<sc_bundles>
// kernel: kernel.11.cloned.1.call-start
scs
__scs_entry_jumppad:
0x0: {  	(pc) =	sbr.rel $0x88, $3  }
0x1: {  	(tag) =	ssettag $0x0;
	lr =	simm.s32 $0x1  }
0x2: {  	[smem:$0x3F9F] =	sst lr;
	_ =	strace $0xD0000000  }
0x3: {  	_ = 	snop  }
0x4: {  	_ = 	snop  }
0x5: {  	_ = 	snop  }
0x6: {  	_ = 	snop  }
0x7: {  	_ = 	snop  }
__scs_overlays_trampoline_lowered:
0x8: {  	[smem:$0x3FAE] =	sst s0  }
0x9: {  	[smem:$0x3FAF] =	sst s1  }
0xa: {  	[smem:$0x3FB0] =	sst s2  }
0xb: {  	[smem:$0x3FB1] =	sst s3  }
0xc: {  	[smem:$0x3FB2] =	sst s4  }
0xd: {  	[smem:$0x3FB3] =	sst s5  }
0xe: {  	[smem:$0x3FB4] =	sst s6  }
0xf: {  	[smem:$0x3FB5] =	sst s7  }
0x10: {  	[smem:$0x3FB6] =	sst s8  }
0x11: {  	[smem:$0x3FB7] =	sst s9;
	s0 =	simm.s32 @!p0 $0x0  }
0x12: {  	s1 =	sld [smem:$0x3F9D];
	s0 =	simm.s32 @p0 $0x1  }
0x13: {  	[smem:$0x3FB8] =	sst s0;
	s0 =	simm.s32 @!p1 $0x0  }
0x14: {  	s2 =	sld [smem:$0x3F9C];
	s0 =	simm.s32 @p1 $0x1  }
0x15: {  	[smem:$0x3FB9] =	sst s0;
	s0 =	simm.s32 @!p2 $0x0  }
0x16: {  	s3 =	sld [smem:$0x3FDB];
	s0 =	simm.s32 @p2 $0x1  }
0x17: {  	s4 =	simm.s32 $0x1BF5;
	[smem:$0x3FBB] =	sst s0  }
0x18: {  	s0 =	sld [smem:$0x3F9E];
	_ =	swait.ge [sflag:s4], $0x0  }
0x19: {  	s7 =	sld [smem:$0x3F9F]  }
0x1a: {  	s8 =	sadd.s32 $0xFFFFE003, lr  }
0x1b: {  	s9 =	sadd.s32 $0xFFFFFEF7, lr;
	s5 =	simm.s32 $0xFFFFFFFF;
	p2 =	slt.u32 s8, $0xFFFFF086  }
0x1c: {  	p1 =	slt.u32 s9, $0xF7A;
	s5 =	simm.s32 @!p2 $0x0  }
0x1d: {  	s5 =	simm.s32 @p1 $0x1;
	p0 =	seq.s32 s7, s2  }
0x1e: {  	s7 =	smul.u32 @!p0 $0xF7A, s2;
	p2 =	seq.s32 @!p0 s5, $0x0  }
0x1f: {  	s9 =	smul.u32 $0xF7A, s1;
	s8 =	simm.s32 @!p0 $0x1BF5;
	p2 =	por !p2, p0  }
0x20: {  	[sflag:s8] =	ssyncset.s32 @!p0 $0xFFFFF086;
	s6 =	sadd.s32 @!p0 s3, s7;
	s7 =	simm.s32 @!p0 $0x108  }
0x21: {  	s3 =	sadd.s32 s3, s9;
	s6 =	sadd.s32 @!p0 $0x88, s6;
	s7 =	simm.s32 @p2 $0x1082  }
0x22: {  	[simem:s7], [sflag:s8] =	dma.local @!p0 [hbm:s6], $0xF7A  }
0x23: {  	s9 =	sor.u32 $0xD0000000, s2;
	s6 =	simm.s32 $0x108;
	_ =	swait.ge @!p0 [sflag:s8], $0x0  }
0x24: {  	s3 =	sadd.s32 $0x88, s3;
	s6 =	simm.s32 @!p1 $0x1082;
	[sflag:s4] =	ssyncset.s32 $0xFFFFF086  }
0x25: {  	[simem:s6], [sflag:s4] =	dma.local [hbm:s3], $0xF7A  }
0x26: {  	[smem:$0x3F9F] =	sst s1;
	(tag) =	ssettag s2;
	_ =	strace s9  }
0x27: {  	s1 =	sld [smem:$0x3FAF]  }
0x28: {  	s2 =	sld [smem:$0x3FB0]  }
0x29: {  	s4 =	sld [smem:$0x3FB2]  }
0x2a: {  	p0 =	seq.s32 s5, $0x0;
	s5 =	sld [smem:$0x3FB3]  }
0x2b: {  	s6 =	sld [smem:$0x3FB4]  }
0x2c: {  	s7 =	sld [smem:$0x3FB5]  }
0x2d: {  	s3 =	simm.s32 $0x108;
	s8 =	sld [smem:$0x3FB6]  }
0x2e: {  	s3 =	simm.s32 @!p0 $0x1082;
	s9 =	sld [smem:$0x3FB7]  }
0x2f: {  	lr =	sadd.s32 s0, s3;
	s0 =	sld [smem:$0x3FAE]  }
0x30: {  	s3 =	sld [smem:$0x3FB1]  }
0x31: {  	[smem:$0x3FBA] =	sst s10  }
0x32: {  	s10 =	sld [smem:$0x3FB8];
	_ =	sdelay $0x3  }
0x33: {  	p0 =	seq.s32 s10, $0x1;
	s10 =	sld [smem:$0x3FBA];
	_ =	sdelay $0x3  }
0x34: {  	[smem:$0x3FBA] =	sst s10  }
0x35: {  	s10 =	sld [smem:$0x3FB9];
	_ =	sdelay $0x3  }
0x36: {  	p1 =	seq.s32 s10, $0x1;
	s10 =	sld [smem:$0x3FBA];
	_ =	sdelay $0x3  }
0x37: {  	[smem:$0x3FBA] =	sst s10  }
0x38: {  	s10 =	sld [smem:$0x3FBB]  }
0x39: {  	_ = 	snop;
	(pc) =	sbr.ind lr, $3  }
0x3a: {  	_ = 	snop  }
0x3b: {  	_ = 	snop  }
0x3c: {  	p2 =	seq.s32 s10, $0x1;
	s10 =	sld [smem:$0x3FBA]  }
0x3d: {  	_ =	shalt  }
0x3e: {  	_ =	shalt  }
0x3f: {  	_ =	shalt  }
0x40: {  	_ =	shalt  }
0x41: {  	_ =	shalt  }
0x42: {  	_ =	shalt  }
0x43: {  	_ =	shalt  }
0x44: {  	_ =	shalt  }
0x45: {  	_ =	shalt  }
0x46: {  	_ =	shalt  }
0x47: {  	_ =	shalt  }
0x48: {  	_ =	shalt  }
0x49: {  	_ =	shalt  }
0x4a: {  	_ =	shalt  }
0x4b: {  	_ =	shalt  }
0x4c: {  	_ =	shalt  }
0x4d: {  	_ =	shalt  }
0x4e: {  	_ =	shalt  }
0x4f: {  	_ =	shalt  }
0x50: {  	_ =	shalt  }
0x51: {  	_ =	shalt  }
0x52: {  	_ =	shalt  }
0x53: {  	_ =	shalt  }
0x54: {  	_ =	shalt  }
0x55: {  	_ =	shalt  }
0x56: {  	_ =	shalt  }
0x57: {  	_ =	shalt  }
0x58: {  	_ =	shalt  }
0x59: {  	_ =	shalt  }
0x5a: {  	_ =	shalt  }
0x5b: {  	_ =	shalt  }
0x5c: {  	_ =	shalt  }
0x5d: {  	_ =	shalt  }
0x5e: {  	_ =	shalt  }
0x5f: {  	_ =	shalt  }
0x60: {  	_ =	shalt  }
0x61: {  	_ =	shalt  }
0x62: {  	_ =	shalt  }
0x63: {  	_ =	shalt  }
0x64: {  	_ =	shalt  }
0x65: {  	_ =	shalt  }
0x66: {  	_ =	shalt  }
0x67: {  	_ =	shalt  }
0x68: {  	_ =	shalt  }
0x69: {  	_ =	shalt  }
0x6a: {  	_ =	shalt  }
0x6b: {  	_ =	shalt  }
0x6c: {  	_ =	shalt  }
0x6d: {  	_ =	shalt  }
0x6e: {  	_ =	shalt  }
0x6f: {  	_ =	shalt  }
0x70: {  	_ =	shalt  }
0x71: {  	_ =	shalt  }
0x72: {  	_ =	shalt  }
0x73: {  	_ =	shalt  }
0x74: {  	_ =	shalt  }
0x75: {  	_ =	shalt  }
0x76: {  	_ =	shalt  }
0x77: {  	_ =	shalt  }
0x78: {  	_ =	shalt  }
0x79: {  	_ =	shalt  }
0x7a: {  	_ =	shalt  }
0x7b: {  	_ =	shalt  }
0x7c: {  	_ =	shalt  }
0x7d: {  	_ =	shalt  }
0x7e: {  	_ =	shalt  }
0x7f: {  	_ =	shalt  }
0x80: {  	_ =	shalt  }
0x81: {  	_ =	shalt  }
0x82: {  	_ =	shalt  }
0x83: {  	_ =	shalt  }
0x84: {  	_ =	shalt  }
0x85: {  	_ =	shalt  }
0x86: {  	_ =	shalt  }
0x87: {  	_ =	shalt  }
.Lfunc_end0:
.L_simem_size_0:
called_computation_lowered:
.L_overlay_start_0:
0x88: {  	s2 =	sld [smem:$0x3FD9]  }
0x89: {  	s3 =	sld [smem:$0x3FFE];
	_ =	sdelay $0x1  }
0x8a: {  	s1 =	srdreg.scid  }
0x8b: {  	s0 =	sand.u32 $0x1, s1  }
0x8c: {  	s14 =	sshll.u32 s0, $0xA;
	s2 =	sadd.s32 s3, s2  }
0x8d: {  	s2 =	sadd.s32 s2, s14  }
0x8e: {  	[smem:$0x3FC6] =	sst s2  }
0x8f: {  	_ = 	snop  }
0x90: {  	s2 =	sld [smem:$0x3FD0];
	_ =	sdelay $0x2  }
0x91: {  	s15 =	simm.s32 $0xA;
	s4 =	simm.s32 $0x10  }
0x92: {  	[smem:s4], [sflag:s15] =	dma.local [hbm:s2], $0x1  }
0x93: {  	_ =	swait.eq [sflag:s15], $0x1  }
0x94: {  	[sflag:s15] =	ssyncset.done $0x0  }
0x95: {  	[sflag:s15] =	ssyncadd.s32 $0xFFFFFFFF  }
0x96: {  	s16 =	sld [smem:$0x11];
	(tm) =	ssettm $0x1  }
0x97: {  	s17 =	sld [smem:$0x3FFB];
	_ =	sdelay $0x3  }
0x98: {  	_ =	strace s17  }
0x99: {  	s3 =	sld [smem:$0x3FFC];
	_ =	sdelay $0x3  }
0x9a: {  	_ =	strace s3  }
0x9b: {  	s3 =	sld [smem:$0x3FFD];
	_ =	sdelay $0x3  }
0x9c: {  	_ =	strace s3  }
0x9d: {  	_ =	strace $0x8FFFFFFF  }
0x9e: {  	s18 =	sld [smem:$0x3FDB];
	_ =	sdelay $0x1  }
0x9f: {  	s19 =	simm.s32 $_scs_section_size  }
0xa0: {  	s5 =	simm.s32 $_size__tile_overlayer_lowered;
	s6 =	simm.s32 $_tile_overlayer_lowered  }
0xa1: {  	s22 =	simm.s32 $0x1BFF;
	s21 =	sshll.u32 s6, $0x1;
	s3 =	sadd.s32 s19, s18  }
0xa2: {  	s7 =	simm.s32 $0x0;
	s20 =	sshll.u32 s5, $0x1;
	s5 =	sadd.s32 s21, s3  }
0xa3: {  	[timem:s7], [sflag:s22] =	dma.local [hbm:s5], s20  }
0xa4: {  	_ =	swait.ge [sflag:s22], s20  }
0xa5: {  	s4 =	ssub.s32 $0x0, s20;
	[sflag:s22] =	ssyncset.done $0x0  }
0xa6: {  	[sflag:s22] =	ssyncadd.s32 s4;
	_ =	sdelay $0x1  }
0xa7: {  	s23 =	simm.s32 $0x1B8B  }
0xa8: {  	_ =	swait.ge [sflag:s23], $0x1  }
0xa9: {  	[sflag:s23] =	ssyncset.done $0x0  }
0xaa: {  	s25 =	simm.s32 $0x1B8E;
	s24 =	sld [smem:$0x3FFE];
	[sflag:s23] =	ssyncadd.s32 $0xFFFFFFFF  }
0xab: {  	s26 =	simm.s32 $execute0_lowered;
	[smem:$0x3FD2] =	sst s25  }
0xac: {  	s5 =	sshll.u32 s26, $0x1;
	_ =	strace $0x80000046;
	[dreg:$0x1] =	wrdreg $0xFFFFFFFF  }
0xad: {  	s28 =	simm.s32 $_size_execute0_lowered;
	s3 =	sadd.s32 s3, s5;
	[dreg:$0x0] =	wrdreg $0x0  }
0xae: {  	s5 =	sshll.u32 s28, $0x1;
	[dreg:$0x2] =	wrdreg s3  }
0xaf: {  	[dreg:$0x3] =	wrdreg s5  }
0xb0: {  	[dreg:$0x4] =	wrdreg $0xC0  }
0xb1: {  	_ =	task [dreg:s7], $0x5FFFF  }
0xb2: {  	[dreg:$0x1] =	wrdreg $0xFFFFFFFF  }
0xb3: {  	[dreg:$0x0] =	wrdreg $0x60  }
0xb4: {  	[dreg:$0x2] =	wrdreg s24  }
0xb5: {  	[dreg:$0x3] =	wrdreg s16  }
0xb6: {  	[dreg:$0x4] =	wrdreg $0x9  }
0xb7: {  	_ =	task.clear_ibuf [dreg:s7], $0x5FFFF;
	_ =	strace $0x90000046  }
0xb8: {  	s29 =	simm.s32 $0x9;
	_ =	strace $0x80000048  }
0xb9: {  	_ =	swait.ge [sflag:s29], $0x1  }
0xba: {  	[sflag:s29] =	ssyncadd.s32 $0xFFFFFFFF  }
0xbb: {  	_ =	strace $0x90000048  }
0xbc: {  	_ =	sfence  }
0xbd: {  	s30 =	sld [smem:$0x0];
	_ =	sdelay $0x2  }
0xbe: {  	s31 =	sshll.u32 s1, $0xD;
	s1 =	sshrl.u32 s1, $0x2  }
0xbf: {  	s3 =	sand.u32 $0x4000, s31;
	s1 =	sadd.s32 s1, s30  }
0xc0: {  	s0 =	sor.u32 s3, s0;
	s1 =	sshll.u32 s1, $0x11  }
0xc1: {  	s0 =	sor.u32 s1, s0  }
0xc2: {  	s0 =	sadd.s32 $0x8F2B, s0  }
0xc3: {  	[sflag:s0] =	ssyncadd.remote.s32 $0x1  }
0xc4: {  	_ =	sfence.sel $0xFFFF  }
0xc5: {  	[dreg:$0x0] =	wrdreg $0xFFFFFFFF;
	(pc) =	sbr.abs _section_cstart, $3  }
0xc6: {  	[dreg:$0x1] =	wrdreg $0xFFFFFFFF  }
0xc7: {  	_ =	task.clear_ibuf [dreg:s7], $0x2FFFF;
	_ =	strace $0x9FFFFFFF  }
0xc8: {  	(tm) =	ssettm $0x7FFFFFFF  }
0xc9: {  	_ =	shalt  }
tec
execute0_lowered:
.L_overlay_start_1:
0x0: {  	(tag) =	ssettag $0x1  }
0x1: {  	s1 =	srdreg.scid  }
0x2: {  	s0 =	stileid.u32;
	s9 =	rddreg [dreg:$0x0]  }
0x3: {  	s3 =	rddreg [dreg:$0x1];
	s6 =	sand.u32 $0x1, s1;
	s30 =	sshll.u32 s0, $0x1  }
0x4: {  	s2 =	simm.s32 $0x0;
	s1 =	rddreg [dreg:$0x2];
	s7 =	sor.u32 s6, s30  }
0x5: {  	s8 =	simm.s32 $0x1;
	[smem:$0x7FF] =	sst s2;
	s4 =	smul.u32 $0x12, s7  }
0x6: {  	s5 =	sadd.s32 $0x3600, s9;
	_ =	strace $0x80000047;
	s11 =	ssub.s32 $0x2, s6  }
0x7: {  	s6 =	simm.s32 $0x90;
	s4 =	sadd.s32 s3, s4;
	s3 =	simm.s32 $0x2  }
0x8: {  	[tilespmem:s2], [sflag:$0x2] =	stream.linear.gather [hbm4b:s4+s2], $0x90, $0x38;
	[tilespmem:$0x4900] =	vst v63  }
0x9: {  	s10 =	smul.u32 $0x900, s7;
	s12 =	sshrl.u32 s11, $0x1;
	_ =	swait.ge [sflag:s3], $0x90  }
0xa: {  	s7 =	simm.s32 $0x100;
	s31 =	ssub.s32 s11, s12;
	[sflag:s3] =	ssyncset.done $0x0  }
0xb: {  	s9 =	sadd.s32 s10, s9;
	s10 =	smax.u32 s31, $0x1;
	[sflag:s3] =	ssyncadd.s32 $0xFFFFFF70  }
0xc: {  	[tilespmem:s7], [sflag:$0x1] =	stream.indirect.gather [hbm4b:s5+s6], $0x80, s2, s6, $0xb8;
	[tilespmem:$0x4900] =	vst v63  }
0xd: {  	p0 =	sne.s32 s10, $0x1;
	_ =	swait.ge [sflag:s8], $0x4800  }
.Ltmp0:
0xe: {  	[sflag:s8] =	ssyncset.done $0x0;
	(pc) =	sbr.rel @!p0 .LBB2_2-.Ltmp0, $4  }
0xf: {  	s9 =	sadd.s32 $0x83600, s9;
	[sflag:s8] =	ssyncadd.s32 $0xFFFFB800  }
0x10: {  	[hbm4b:s9+s2] =	stream.linear.scatter [tilespmem:s7], [sflag:$0x2], $0x4800, $0x38;
	[tilespmem:$0x4900] =	vst v63  }
0x11: {  	_ =	swait.ge [sflag:s3], $0x4800  }
0x12: {  	s10 =	sadd.s32 $0xFFFFFFFF, s10;
	[sflag:s3] =	ssyncset.done $0x0  }
.LBB2_1:
0x13: {  	p0 =	sne.s32 s10, $0x1;
	s10 =	sadd.s32 $0xFFFFFFFF, s10;
	[sflag:s3] =	ssyncadd.s32 $0xFFFFB800  }
0x14: {  	[tilespmem:s2], [sflag:$0x2] =	stream.linear.gather [hbm4b:s4+s2], $0x90, $0x38;
	[tilespmem:$0x4900] =	vst v63  }
0x15: {  	_ =	swait.ge [sflag:s3], $0x90  }
0x16: {  	[sflag:s3] =	ssyncset.done $0x0  }
0x17: {  	[sflag:s3] =	ssyncadd.s32 $0xFFFFFF70  }
0x18: {  	[tilespmem:s7], [sflag:$0x1] =	stream.indirect.gather [hbm4b:s5+s6], $0x80, s2, s6, $0xb8;
	[tilespmem:$0x4900] =	vst v63  }
0x19: {  	_ =	swait.ge [sflag:s8], $0x4800  }
.Ltmp1:
0x1a: {  	[sflag:s8] =	ssyncset.done $0x0;
	(pc) =	sbr.rel @p0 .LBB2_1-.Ltmp1, $4  }
0x1b: {  	[sflag:s8] =	ssyncadd.s32 $0xFFFFB800  }
0x1c: {  	[hbm4b:s9+s2] =	stream.linear.scatter [tilespmem:s7], [sflag:$0x2], $0x4800, $0x38;
	[tilespmem:$0x4900] =	vst v63  }
0x1d: {  	_ =	swait.ge [sflag:s3], $0x4800  }
0x1e: {  	[sflag:s3] =	ssyncset.done $0x0  }
.LBB2_2:
0x1f: {  	[sflag:s3] =	ssyncadd.s32 $0xFFFFB800  }
0x20: {  	_ =	sfence.sel $0x180000  }
0x21: {  	[bflag:$0x0] =	sbarrier.arrive $0xFFFF  }
0x22: {  	p0 =	sne.s32 s0, $0x0;
	_ =	strace $0x90000047  }
0x23: {  	s0 =	sadd.s32 @!p0 $0x100000, s1;
	[bflag:$0x2] =	sbarrier.arrive $0xFFFF  }
0x24: {  	[sflag:s0] =	ssyncadd.tile.s32 @!p0 $0x1;
	_ =	shalt  }
.Lfunc_end2:
_tile_overlayer_lowered:
.L_overlay_start_2:
0x25: {  	(tag) =	ssettag $0x2  }
0x26: {  	s0 =	rddreg [dreg:$0x0];
	s2 =	stileid.u32  }
0x27: {  	s1 =	rddreg [dreg:$0x1];
	p0 =	sne.s32 s2, $0x0  }
0x28: {  	s3 =	rddreg [dreg:$0x2];
	[bflag:$0x3] =	sbarrier.arrive $0xFFFF;
	s2 =	simm.s32 @!p0 $0x1C02  }
0x29: {  	[timem:s3], [sflag:s2] =	dma.local @!p0 [hbm:s0], s1  }
0x2a: {  	s0 =	simm.s32 @!p0 $0x2  }
0x2b: {  	_ =	swait.ge @!p0 [sflag:s0], s1  }
0x2c: {  	s1 =	ssub.s32 @!p0 $0x0, s1;
	[sflag:s0] =	ssyncset.done @!p0 $0x0  }
0x2d: {  	[sflag:s0] =	ssyncadd.s32 @!p0 s1  }
0x2e: {  	[bflag:$0x3] =	sbarrier.arrive $0xFFFF  }
0x2f: {  	_ =	shalt  }

// kernel: kernel.14.cloned.1.call-start
scs
__scs_entry_jumppad:
0x0: {  	(pc) =	sbr.rel $0x88, $3  }
0x1: {  	(tag) =	ssettag $0x0;
	lr =	simm.s32 $0x1  }
0x2: {  	[smem:$0x3F9F] =	sst lr;
	_ =	strace $0xD0000000  }
0x3: {  	_ = 	snop  }
0x4: {  	_ = 	snop  }
0x5: {  	_ = 	snop  }
0x6: {  	_ = 	snop  }
0x7: {  	_ = 	snop  }
__scs_overlays_trampoline_lowered:
0x8: {  	[smem:$0x3FAE] =	sst s0  }
0x9: {  	[smem:$0x3FAF] =	sst s1  }
0xa: {  	[smem:$0x3FB0] =	sst s2  }
0xb: {  	[smem:$0x3FB1] =	sst s3  }
0xc: {  	[smem:$0x3FB2] =	sst s4  }
0xd: {  	[smem:$0x3FB3] =	sst s5  }
0xe: {  	[smem:$0x3FB4] =	sst s6  }
0xf: {  	[smem:$0x3FB5] =	sst s7  }
0x10: {  	[smem:$0x3FB6] =	sst s8  }
0x11: {  	[smem:$0x3FB7] =	sst s9;
	s0 =	simm.s32 @!p0 $0x0  }
0x12: {  	s1 =	sld [smem:$0x3F9D];
	s0 =	simm.s32 @p0 $0x1  }
0x13: {  	[smem:$0x3FB8] =	sst s0;
	s0 =	simm.s32 @!p1 $0x0  }
0x14: {  	s2 =	sld [smem:$0x3F9C];
	s0 =	simm.s32 @p1 $0x1  }
0x15: {  	[smem:$0x3FB9] =	sst s0;
	s0 =	simm.s32 @!p2 $0x0  }
0x16: {  	s3 =	sld [smem:$0x3FDB];
	s0 =	simm.s32 @p2 $0x1  }
0x17: {  	s4 =	simm.s32 $0x1BF5;
	[smem:$0x3FBB] =	sst s0  }
0x18: {  	s0 =	sld [smem:$0x3F9E];
	_ =	swait.ge [sflag:s4], $0x0  }
0x19: {  	s7 =	sld [smem:$0x3F9F]  }
0x1a: {  	s8 =	sadd.s32 $0xFFFFE003, lr  }
0x1b: {  	s9 =	sadd.s32 $0xFFFFFEF7, lr;
	s5 =	simm.s32 $0xFFFFFFFF;
	p2 =	slt.u32 s8, $0xFFFFF086  }
0x1c: {  	p1 =	slt.u32 s9, $0xF7A;
	s5 =	simm.s32 @!p2 $0x0  }
0x1d: {  	s5 =	simm.s32 @p1 $0x1;
	p0 =	seq.s32 s7, s2  }
0x1e: {  	s7 =	smul.u32 @!p0 $0xF7A, s2;
	p2 =	seq.s32 @!p0 s5, $0x0  }
0x1f: {  	s9 =	smul.u32 $0xF7A, s1;
	s8 =	simm.s32 @!p0 $0x1BF5;
	p2 =	por !p2, p0  }
0x20: {  	[sflag:s8] =	ssyncset.s32 @!p0 $0xFFFFF086;
	s6 =	sadd.s32 @!p0 s3, s7;
	s7 =	simm.s32 @!p0 $0x108  }
0x21: {  	s3 =	sadd.s32 s3, s9;
	s6 =	sadd.s32 @!p0 $0x88, s6;
	s7 =	simm.s32 @p2 $0x1082  }
0x22: {  	[simem:s7], [sflag:s8] =	dma.local @!p0 [hbm:s6], $0xF7A  }
0x23: {  	s9 =	sor.u32 $0xD0000000, s2;
	s6 =	simm.s32 $0x108;
	_ =	swait.ge @!p0 [sflag:s8], $0x0  }
0x24: {  	s3 =	sadd.s32 $0x88, s3;
	s6 =	simm.s32 @!p1 $0x1082;
	[sflag:s4] =	ssyncset.s32 $0xFFFFF086  }
0x25: {  	[simem:s6], [sflag:s4] =	dma.local [hbm:s3], $0xF7A  }
0x26: {  	[smem:$0x3F9F] =	sst s1;
	(tag) =	ssettag s2;
	_ =	strace s9  }
0x27: {  	s1 =	sld [smem:$0x3FAF]  }
0x28: {  	s2 =	sld [smem:$0x3FB0]  }
0x29: {  	s4 =	sld [smem:$0x3FB2]  }
0x2a: {  	p0 =	seq.s32 s5, $0x0;
	s5 =	sld [smem:$0x3FB3]  }
0x2b: {  	s6 =	sld [smem:$0x3FB4]  }
0x2c: {  	s7 =	sld [smem:$0x3FB5]  }
0x2d: {  	s3 =	simm.s32 $0x108;
	s8 =	sld [smem:$0x3FB6]  }
0x2e: {  	s3 =	simm.s32 @!p0 $0x1082;
	s9 =	sld [smem:$0x3FB7]  }
0x2f: {  	lr =	sadd.s32 s0, s3;
	s0 =	sld [smem:$0x3FAE]  }
0x30: {  	s3 =	sld [smem:$0x3FB1]  }
0x31: {  	[smem:$0x3FBA] =	sst s10  }
0x32: {  	s10 =	sld [smem:$0x3FB8];
	_ =	sdelay $0x3  }
0x33: {  	p0 =	seq.s32 s10, $0x1;
	s10 =	sld [smem:$0x3FBA];
	_ =	sdelay $0x3  }
0x34: {  	[smem:$0x3FBA] =	sst s10  }
0x35: {  	s10 =	sld [smem:$0x3FB9];
	_ =	sdelay $0x3  }
0x36: {  	p1 =	seq.s32 s10, $0x1;
	s10 =	sld [smem:$0x3FBA];
	_ =	sdelay $0x3  }
0x37: {  	[smem:$0x3FBA] =	sst s10  }
0x38: {  	s10 =	sld [smem:$0x3FBB]  }
0x39: {  	_ = 	snop;
	(pc) =	sbr.ind lr, $3  }
0x3a: {  	_ = 	snop  }
0x3b: {  	_ = 	snop  }
0x3c: {  	p2 =	seq.s32 s10, $0x1;
	s10 =	sld [smem:$0x3FBA]  }
0x3d: {  	_ =	shalt  }
0x3e: {  	_ =	shalt  }
0x3f: {  	_ =	shalt  }
0x40: {  	_ =	shalt  }
0x41: {  	_ =	shalt  }
0x42: {  	_ =	shalt  }
0x43: {  	_ =	shalt  }
0x44: {  	_ =	shalt  }
0x45: {  	_ =	shalt  }
0x46: {  	_ =	shalt  }
0x47: {  	_ =	shalt  }
0x48: {  	_ =	shalt  }
0x49: {  	_ =	shalt  }
0x4a: {  	_ =	shalt  }
0x4b: {  	_ =	shalt  }
0x4c: {  	_ =	shalt  }
0x4d: {  	_ =	shalt  }
0x4e: {  	_ =	shalt  }
0x4f: {  	_ =	shalt  }
0x50: {  	_ =	shalt  }
0x51: {  	_ =	shalt  }
0x52: {  	_ =	shalt  }
0x53: {  	_ =	shalt  }
0x54: {  	_ =	shalt  }
0x55: {  	_ =	shalt  }
0x56: {  	_ =	shalt  }
0x57: {  	_ =	shalt  }
0x58: {  	_ =	shalt  }
0x59: {  	_ =	shalt  }
0x5a: {  	_ =	shalt  }
0x5b: {  	_ =	shalt  }
0x5c: {  	_ =	shalt  }
0x5d: {  	_ =	shalt  }
0x5e: {  	_ =	shalt  }
0x5f: {  	_ =	shalt  }
0x60: {  	_ =	shalt  }
0x61: {  	_ =	shalt  }
0x62: {  	_ =	shalt  }
0x63: {  	_ =	shalt  }
0x64: {  	_ =	shalt  }
0x65: {  	_ =	shalt  }
0x66: {  	_ =	shalt  }
0x67: {  	_ =	shalt  }
0x68: {  	_ =	shalt  }
0x69: {  	_ =	shalt  }
0x6a: {  	_ =	shalt  }
0x6b: {  	_ =	shalt  }
0x6c: {  	_ =	shalt  }
0x6d: {  	_ =	shalt  }
0x6e: {  	_ =	shalt  }
0x6f: {  	_ =	shalt  }
0x70: {  	_ =	shalt  }
0x71: {  	_ =	shalt  }
0x72: {  	_ =	shalt  }
0x73: {  	_ =	shalt  }
0x74: {  	_ =	shalt  }
0x75: {  	_ =	shalt  }
0x76: {  	_ =	shalt  }
0x77: {  	_ =	shalt  }
0x78: {  	_ =	shalt  }
0x79: {  	_ =	shalt  }
0x7a: {  	_ =	shalt  }
0x7b: {  	_ =	shalt  }
0x7c: {  	_ =	shalt  }
0x7d: {  	_ =	shalt  }
0x7e: {  	_ =	shalt  }
0x7f: {  	_ =	shalt  }
0x80: {  	_ =	shalt  }
0x81: {  	_ =	shalt  }
0x82: {  	_ =	shalt  }
0x83: {  	_ =	shalt  }
0x84: {  	_ =	shalt  }
0x85: {  	_ =	shalt  }
0x86: {  	_ =	shalt  }
0x87: {  	_ =	shalt  }
.Lfunc_end0:
.L_simem_size_0:
called_computation.1_lowered:
.L_overlay_start_0:
0x88: {  	s2 =	sld [smem:$0x3FD9]  }
0x89: {  	s3 =	sld [smem:$0x3FFE];
	_ =	sdelay $0x1  }
0x8a: {  	s1 =	srdreg.scid  }
0x8b: {  	s0 =	sand.u32 $0x1, s1  }
0x8c: {  	s14 =	sshll.u32 s0, $0xA;
	s2 =	sadd.s32 s3, s2  }
0x8d: {  	s2 =	sadd.s32 s2, s14  }
0x8e: {  	[smem:$0x3FC6] =	sst s2  }
0x8f: {  	_ = 	snop  }
0x90: {  	s2 =	sld [smem:$0x3FD0];
	_ =	sdelay $0x2  }
0x91: {  	s15 =	simm.s32 $0xA;
	s4 =	simm.s32 $0x10  }
0x92: {  	[smem:s4], [sflag:s15] =	dma.local [hbm:s2], $0x1  }
0x93: {  	_ =	swait.eq [sflag:s15], $0x1  }
0x94: {  	[sflag:s15] =	ssyncset.done $0x0  }
0x95: {  	[sflag:s15] =	ssyncadd.s32 $0xFFFFFFFF  }
0x96: {  	s16 =	sld [smem:$0x10];
	(tm) =	ssettm $0x1  }
0x97: {  	s17 =	sld [smem:$0x3FFB];
	_ =	sdelay $0x3  }
0x98: {  	_ =	strace s17  }
0x99: {  	s3 =	sld [smem:$0x3FFC];
	_ =	sdelay $0x3  }
0x9a: {  	_ =	strace s3  }
0x9b: {  	s3 =	sld [smem:$0x3FFD];
	_ =	sdelay $0x3  }
0x9c: {  	_ =	strace s3  }
0x9d: {  	_ =	strace $0x8FFFFFFF  }
0x9e: {  	s18 =	sld [smem:$0x3FDB];
	_ =	sdelay $0x1  }
0x9f: {  	s19 =	simm.s32 $_scs_section_size  }
0xa0: {  	s5 =	simm.s32 $_size__tile_overlayer_lowered;
	s6 =	simm.s32 $_tile_overlayer_lowered  }
0xa1: {  	s22 =	simm.s32 $0x1BFF;
	s21 =	sshll.u32 s6, $0x1;
	s3 =	sadd.s32 s19, s18  }
0xa2: {  	s7 =	simm.s32 $0x0;
	s20 =	sshll.u32 s5, $0x1;
	s5 =	sadd.s32 s21, s3  }
0xa3: {  	[timem:s7], [sflag:s22] =	dma.local [hbm:s5], s20  }
0xa4: {  	_ =	swait.ge [sflag:s22], s20  }
0xa5: {  	s4 =	ssub.s32 $0x0, s20;
	[sflag:s22] =	ssyncset.done $0x0  }
0xa6: {  	[sflag:s22] =	ssyncadd.s32 s4;
	_ =	sdelay $0x1  }
0xa7: {  	s23 =	simm.s32 $0x1B8B  }
0xa8: {  	_ =	swait.ge [sflag:s23], $0x1  }
0xa9: {  	[sflag:s23] =	ssyncset.done $0x0  }
0xaa: {  	s25 =	simm.s32 $0x1B8E;
	s24 =	sld [smem:$0x3FFE];
	[sflag:s23] =	ssyncadd.s32 $0xFFFFFFFF  }
0xab: {  	s26 =	simm.s32 $execute0_lowered;
	[smem:$0x3FD2] =	sst s25  }
0xac: {  	s5 =	sshll.u32 s26, $0x1;
	_ =	strace $0x80000049;
	[dreg:$0x1] =	wrdreg $0xFFFFFFFF  }
0xad: {  	s28 =	simm.s32 $_size_execute0_lowered;
	s3 =	sadd.s32 s3, s5;
	[dreg:$0x0] =	wrdreg $0x0  }
0xae: {  	s5 =	sshll.u32 s28, $0x1;
	[dreg:$0x2] =	wrdreg s3  }
0xaf: {  	[dreg:$0x3] =	wrdreg s5  }
0xb0: {  	[dreg:$0x4] =	wrdreg $0xC0  }
0xb1: {  	_ =	task [dreg:s7], $0x5FFFF  }
0xb2: {  	[dreg:$0x1] =	wrdreg $0xFFFFFFFF  }
0xb3: {  	[dreg:$0x0] =	wrdreg $0x60  }
0xb4: {  	[dreg:$0x2] =	wrdreg s24  }
0xb5: {  	[dreg:$0x3] =	wrdreg s16  }
0xb6: {  	[dreg:$0x4] =	wrdreg $0x9  }
0xb7: {  	_ =	task.clear_ibuf [dreg:s7], $0x5FFFF;
	_ =	strace $0x90000049  }
0xb8: {  	s29 =	simm.s32 $0x9;
	_ =	strace $0x8000004B  }
0xb9: {  	_ =	swait.ge [sflag:s29], $0x1  }
0xba: {  	[sflag:s29] =	ssyncadd.s32 $0xFFFFFFFF  }
0xbb: {  	_ =	strace $0x9000004B  }
0xbc: {  	_ =	sfence  }
0xbd: {  	s30 =	sld [smem:$0x0];
	_ =	sdelay $0x2  }
0xbe: {  	s31 =	sshll.u32 s1, $0xD;
	s1 =	sshrl.u32 s1, $0x2  }
0xbf: {  	s3 =	sand.u32 $0x4000, s31;
	s1 =	sadd.s32 s1, s30  }
0xc0: {  	s0 =	sor.u32 s3, s0;
	s1 =	sshll.u32 s1, $0x11  }
0xc1: {  	s0 =	sor.u32 s1, s0  }
0xc2: {  	s0 =	sadd.s32 $0x8F2B, s0  }
0xc3: {  	[sflag:s0] =	ssyncadd.remote.s32 $0x1  }
0xc4: {  	_ =	sfence.sel $0xFFFF  }
0xc5: {  	[dreg:$0x0] =	wrdreg $0xFFFFFFFF;
	(pc) =	sbr.abs _section_cstart, $3  }
0xc6: {  	[dreg:$0x1] =	wrdreg $0xFFFFFFFF  }
0xc7: {  	_ =	task.clear_ibuf [dreg:s7], $0x2FFFF;
	_ =	strace $0x9FFFFFFF  }
0xc8: {  	(tm) =	ssettm $0x7FFFFFFF  }
0xc9: {  	_ =	shalt  }
tec
execute0_lowered:
.L_overlay_start_1:
0x0: {  	(tag) =	ssettag $0x1  }
0x1: {  	s1 =	srdreg.scid  }
0x2: {  	s0 =	stileid.u32;
	s9 =	rddreg [dreg:$0x0]  }
0x3: {  	s3 =	rddreg [dreg:$0x1];
	s6 =	sand.u32 $0x1, s1;
	s30 =	sshll.u32 s0, $0x1  }
0x4: {  	s2 =	simm.s32 $0x0;
	s1 =	rddreg [dreg:$0x2];
	s7 =	sor.u32 s6, s30  }
0x5: {  	s8 =	simm.s32 $0x1;
	[smem:$0x7FF] =	sst s2;
	s4 =	smul.u32 $0x12, s7  }
0x6: {  	s5 =	sadd.s32 $0x23600, s9;
	_ =	strace $0x8000004A;
	s11 =	ssub.s32 $0x2, s6  }
0x7: {  	s6 =	simm.s32 $0x90;
	s4 =	sadd.s32 s3, s4;
	s3 =	simm.s32 $0x2  }
0x8: {  	[tilespmem:s2], [sflag:$0x2] =	stream.linear.gather [hbm4b:s4+s2], $0x90, $0x38;
	[tilespmem:$0x4900] =	vst v63  }
0x9: {  	s10 =	smul.u32 $0x900, s7;
	s12 =	sshrl.u32 s11, $0x1;
	_ =	swait.ge [sflag:s3], $0x90  }
0xa: {  	s7 =	simm.s32 $0x100;
	s31 =	ssub.s32 s11, s12;
	[sflag:s3] =	ssyncset.done $0x0  }
0xb: {  	s9 =	sadd.s32 s10, s9;
	s10 =	smax.u32 s31, $0x1;
	[sflag:s3] =	ssyncadd.s32 $0xFFFFFF70  }
0xc: {  	[tilespmem:s7], [sflag:$0x1] =	stream.indirect.gather [hbm4b:s5+s6], $0x80, s2, s6, $0xb8;
	[tilespmem:$0x4900] =	vst v63  }
0xd: {  	p0 =	sne.s32 s10, $0x1;
	_ =	swait.ge [sflag:s8], $0x4800  }
.Ltmp0:
0xe: {  	[sflag:s8] =	ssyncset.done $0x0;
	(pc) =	sbr.rel @!p0 .LBB2_2-.Ltmp0, $4  }
0xf: {  	s9 =	sadd.s32 $0x3600, s9;
	[sflag:s8] =	ssyncadd.s32 $0xFFFFB800  }
0x10: {  	[hbm4b:s9+s2] =	stream.linear.scatter [tilespmem:s7], [sflag:$0x2], $0x4800, $0x38;
	[tilespmem:$0x4900] =	vst v63  }
0x11: {  	_ =	swait.ge [sflag:s3], $0x4800  }
0x12: {  	s10 =	sadd.s32 $0xFFFFFFFF, s10;
	[sflag:s3] =	ssyncset.done $0x0  }
.LBB2_1:
0x13: {  	p0 =	sne.s32 s10, $0x1;
	s10 =	sadd.s32 $0xFFFFFFFF, s10;
	[sflag:s3] =	ssyncadd.s32 $0xFFFFB800  }
0x14: {  	[tilespmem:s2], [sflag:$0x2] =	stream.linear.gather [hbm4b:s4+s2], $0x90, $0x38;
	[tilespmem:$0x4900] =	vst v63  }
0x15: {  	_ =	swait.ge [sflag:s3], $0x90  }
0x16: {  	[sflag:s3] =	ssyncset.done $0x0  }
0x17: {  	[sflag:s3] =	ssyncadd.s32 $0xFFFFFF70  }
0x18: {  	[tilespmem:s7], [sflag:$0x1] =	stream.indirect.gather [hbm4b:s5+s6], $0x80, s2, s6, $0xb8;
	[tilespmem:$0x4900] =	vst v63  }
0x19: {  	_ =	swait.ge [sflag:s8], $0x4800  }
.Ltmp1:
0x1a: {  	[sflag:s8] =	ssyncset.done $0x0;
	(pc) =	sbr.rel @p0 .LBB2_1-.Ltmp1, $4  }
0x1b: {  	[sflag:s8] =	ssyncadd.s32 $0xFFFFB800  }
0x1c: {  	[hbm4b:s9+s2] =	stream.linear.scatter [tilespmem:s7], [sflag:$0x2], $0x4800, $0x38;
	[tilespmem:$0x4900] =	vst v63  }
0x1d: {  	_ =	swait.ge [sflag:s3], $0x4800  }
0x1e: {  	[sflag:s3] =	ssyncset.done $0x0  }
.LBB2_2:
0x1f: {  	[sflag:s3] =	ssyncadd.s32 $0xFFFFB800  }
0x20: {  	_ =	sfence.sel $0x180000  }
0x21: {  	[bflag:$0x0] =	sbarrier.arrive $0xFFFF  }
0x22: {  	p0 =	sne.s32 s0, $0x0;
	_ =	strace $0x9000004A  }
0x23: {  	s0 =	sadd.s32 @!p0 $0x100000, s1;
	[bflag:$0x2] =	sbarrier.arrive $0xFFFF  }
0x24: {  	[sflag:s0] =	ssyncadd.tile.s32 @!p0 $0x1;
	_ =	shalt  }
.Lfunc_end2:
_tile_overlayer_lowered:
.L_overlay_start_2:
0x25: {  	(tag) =	ssettag $0x2  }
0x26: {  	s0 =	rddreg [dreg:$0x0];
	s2 =	stileid.u32  }
0x27: {  	s1 =	rddreg [dreg:$0x1];
	p0 =	sne.s32 s2, $0x0  }
0x28: {  	s3 =	rddreg [dreg:$0x2];
	[bflag:$0x3] =	sbarrier.arrive $0xFFFF;
	s2 =	simm.s32 @!p0 $0x1C02  }
0x29: {  	[timem:s3], [sflag:s2] =	dma.local @!p0 [hbm:s0], s1  }
0x2a: {  	s0 =	simm.s32 @!p0 $0x2  }
0x2b: {  	_ =	swait.ge @!p0 [sflag:s0], s1  }
0x2c: {  	s1 =	ssub.s32 @!p0 $0x0, s1;
	[sflag:s0] =	ssyncset.done @!p0 $0x0  }
0x2d: {  	[sflag:s0] =	ssyncadd.s32 @!p0 s1  }
0x2e: {  	[bflag:$0x3] =	sbarrier.arrive $0xFFFF  }
0x2f: {  	_ =	shalt  }

// kernel: kernel.17.cloned.1.call-start
scs
__scs_entry_jumppad:
0x0: {  	(pc) =	sbr.rel $0x88, $3  }
0x1: {  	(tag) =	ssettag $0x0;
	lr =	simm.s32 $0x1  }
0x2: {  	[smem:$0x3F9F] =	sst lr;
	_ =	strace $0xD0000000  }
0x3: {  	_ = 	snop  }
0x4: {  	_ = 	snop  }
0x5: {  	_ = 	snop  }
0x6: {  	_ = 	snop  }
0x7: {  	_ = 	snop  }
__scs_overlays_trampoline_lowered:
0x8: {  	[smem:$0x3FAE] =	sst s0  }
0x9: {  	[smem:$0x3FAF] =	sst s1  }
0xa: {  	[smem:$0x3FB0] =	sst s2  }
0xb: {  	[smem:$0x3FB1] =	sst s3  }
0xc: {  	[smem:$0x3FB2] =	sst s4  }
0xd: {  	[smem:$0x3FB3] =	sst s5  }
0xe: {  	[smem:$0x3FB4] =	sst s6  }
0xf: {  	[smem:$0x3FB5] =	sst s7  }
0x10: {  	[smem:$0x3FB6] =	sst s8  }
0x11: {  	[smem:$0x3FB7] =	sst s9;
	s0 =	simm.s32 @!p0 $0x0  }
0x12: {  	s1 =	sld [smem:$0x3F9D];
	s0 =	simm.s32 @p0 $0x1  }
0x13: {  	[smem:$0x3FB8] =	sst s0;
	s0 =	simm.s32 @!p1 $0x0  }
0x14: {  	s2 =	sld [smem:$0x3F9C];
	s0 =	simm.s32 @p1 $0x1  }
0x15: {  	[smem:$0x3FB9] =	sst s0;
	s0 =	simm.s32 @!p2 $0x0  }
0x16: {  	s3 =	sld [smem:$0x3FDB];
	s0 =	simm.s32 @p2 $0x1  }
0x17: {  	s4 =	simm.s32 $0x1BF5;
	[smem:$0x3FBB] =	sst s0  }
0x18: {  	s0 =	sld [smem:$0x3F9E];
	_ =	swait.ge [sflag:s4], $0x0  }
0x19: {  	s7 =	sld [smem:$0x3F9F]  }
0x1a: {  	s8 =	sadd.s32 $0xFFFFE003, lr  }
0x1b: {  	s9 =	sadd.s32 $0xFFFFFEF7, lr;
	s5 =	simm.s32 $0xFFFFFFFF;
	p2 =	slt.u32 s8, $0xFFFFF086  }
0x1c: {  	p1 =	slt.u32 s9, $0xF7A;
	s5 =	simm.s32 @!p2 $0x0  }
0x1d: {  	s5 =	simm.s32 @p1 $0x1;
	p0 =	seq.s32 s7, s2  }
0x1e: {  	s7 =	smul.u32 @!p0 $0xF7A, s2;
	p2 =	seq.s32 @!p0 s5, $0x0  }
0x1f: {  	s9 =	smul.u32 $0xF7A, s1;
	s8 =	simm.s32 @!p0 $0x1BF5;
	p2 =	por !p2, p0  }
0x20: {  	[sflag:s8] =	ssyncset.s32 @!p0 $0xFFFFF086;
	s6 =	sadd.s32 @!p0 s3, s7;
	s7 =	simm.s32 @!p0 $0x108  }
0x21: {  	s3 =	sadd.s32 s3, s9;
	s6 =	sadd.s32 @!p0 $0x88, s6;
	s7 =	simm.s32 @p2 $0x1082  }
0x22: {  	[simem:s7], [sflag:s8] =	dma.local @!p0 [hbm:s6], $0xF7A  }
0x23: {  	s9 =	sor.u32 $0xD0000000, s2;
	s6 =	simm.s32 $0x108;
	_ =	swait.ge @!p0 [sflag:s8], $0x0  }
0x24: {  	s3 =	sadd.s32 $0x88, s3;
	s6 =	simm.s32 @!p1 $0x1082;
	[sflag:s4] =	ssyncset.s32 $0xFFFFF086  }
0x25: {  	[simem:s6], [sflag:s4] =	dma.local [hbm:s3], $0xF7A  }
0x26: {  	[smem:$0x3F9F] =	sst s1;
	(tag) =	ssettag s2;
	_ =	strace s9  }
0x27: {  	s1 =	sld [smem:$0x3FAF]  }
0x28: {  	s2 =	sld [smem:$0x3FB0]  }
0x29: {  	s4 =	sld [smem:$0x3FB2]  }
0x2a: {  	p0 =	seq.s32 s5, $0x0;
	s5 =	sld [smem:$0x3FB3]  }
0x2b: {  	s6 =	sld [smem:$0x3FB4]  }
0x2c: {  	s7 =	sld [smem:$0x3FB5]  }
0x2d: {  	s3 =	simm.s32 $0x108;
	s8 =	sld [smem:$0x3FB6]  }
0x2e: {  	s3 =	simm.s32 @!p0 $0x1082;
	s9 =	sld [smem:$0x3FB7]  }
0x2f: {  	lr =	sadd.s32 s0, s3;
	s0 =	sld [smem:$0x3FAE]  }
0x30: {  	s3 =	sld [smem:$0x3FB1]  }
0x31: {  	[smem:$0x3FBA] =	sst s10  }
0x32: {  	s10 =	sld [smem:$0x3FB8];
	_ =	sdelay $0x3  }
0x33: {  	p0 =	seq.s32 s10, $0x1;
	s10 =	sld [smem:$0x3FBA];
	_ =	sdelay $0x3  }
0x34: {  	[smem:$0x3FBA] =	sst s10  }
0x35: {  	s10 =	sld [smem:$0x3FB9];
	_ =	sdelay $0x3  }
0x36: {  	p1 =	seq.s32 s10, $0x1;
	s10 =	sld [smem:$0x3FBA];
	_ =	sdelay $0x3  }
0x37: {  	[smem:$0x3FBA] =	sst s10  }
0x38: {  	s10 =	sld [smem:$0x3FBB]  }
0x39: {  	_ = 	snop;
	(pc) =	sbr.ind lr, $3  }
0x3a: {  	_ = 	snop  }
0x3b: {  	_ = 	snop  }
0x3c: {  	p2 =	seq.s32 s10, $0x1;
	s10 =	sld [smem:$0x3FBA]  }
0x3d: {  	_ =	shalt  }
0x3e: {  	_ =	shalt  }
0x3f: {  	_ =	shalt  }
0x40: {  	_ =	shalt  }
0x41: {  	_ =	shalt  }
0x42: {  	_ =	shalt  }
0x43: {  	_ =	shalt  }
0x44: {  	_ =	shalt  }
0x45: {  	_ =	shalt  }
0x46: {  	_ =	shalt  }
0x47: {  	_ =	shalt  }
0x48: {  	_ =	shalt  }
0x49: {  	_ =	shalt  }
0x4a: {  	_ =	shalt  }
0x4b: {  	_ =	shalt  }
0x4c: {  	_ =	shalt  }
0x4d: {  	_ =	shalt  }
0x4e: {  	_ =	shalt  }
0x4f: {  	_ =	shalt  }
0x50: {  	_ =	shalt  }
0x51: {  	_ =	shalt  }
0x52: {  	_ =	shalt  }
0x53: {  	_ =	shalt  }
0x54: {  	_ =	shalt  }
0x55: {  	_ =	shalt  }
0x56: {  	_ =	shalt  }
0x57: {  	_ =	shalt  }
0x58: {  	_ =	shalt  }
0x59: {  	_ =	shalt  }
0x5a: {  	_ =	shalt  }
0x5b: {  	_ =	shalt  }
0x5c: {  	_ =	shalt  }
0x5d: {  	_ =	shalt  }
0x5e: {  	_ =	shalt  }
0x5f: {  	_ =	shalt  }
0x60: {  	_ =	shalt  }
0x61: {  	_ =	shalt  }
0x62: {  	_ =	shalt  }
0x63: {  	_ =	shalt  }
0x64: {  	_ =	shalt  }
0x65: {  	_ =	shalt  }
0x66: {  	_ =	shalt  }
0x67: {  	_ =	shalt  }
0x68: {  	_ =	shalt  }
0x69: {  	_ =	shalt  }
0x6a: {  	_ =	shalt  }
0x6b: {  	_ =	shalt  }
0x6c: {  	_ =	shalt  }
0x6d: {  	_ =	shalt  }
0x6e: {  	_ =	shalt  }
0x6f: {  	_ =	shalt  }
0x70: {  	_ =	shalt  }
0x71: {  	_ =	shalt  }
0x72: {  	_ =	shalt  }
0x73: {  	_ =	shalt  }
0x74: {  	_ =	shalt  }
0x75: {  	_ =	shalt  }
0x76: {  	_ =	shalt  }
0x77: {  	_ =	shalt  }
0x78: {  	_ =	shalt  }
0x79: {  	_ =	shalt  }
0x7a: {  	_ =	shalt  }
0x7b: {  	_ =	shalt  }
0x7c: {  	_ =	shalt  }
0x7d: {  	_ =	shalt  }
0x7e: {  	_ =	shalt  }
0x7f: {  	_ =	shalt  }
0x80: {  	_ =	shalt  }
0x81: {  	_ =	shalt  }
0x82: {  	_ =	shalt  }
0x83: {  	_ =	shalt  }
0x84: {  	_ =	shalt  }
0x85: {  	_ =	shalt  }
0x86: {  	_ =	shalt  }
0x87: {  	_ =	shalt  }
.Lfunc_end0:
.L_simem_size_0:
called_computation.2_lowered:
.L_overlay_start_0:
0x88: {  	s2 =	sld [smem:$0x3FD9]  }
0x89: {  	s3 =	sld [smem:$0x3FFE];
	_ =	sdelay $0x1  }
0x8a: {  	s1 =	srdreg.scid  }
0x8b: {  	s0 =	sand.u32 $0x1, s1  }
0x8c: {  	s16 =	sshll.u32 s0, $0xA;
	s2 =	sadd.s32 s3, s2  }
0x8d: {  	s2 =	sadd.s32 s2, s16  }
0x8e: {  	[smem:$0x3FC6] =	sst s2  }
0x8f: {  	_ = 	snop  }
0x90: {  	(tm) =	ssettm $0x1  }
0x91: {  	s17 =	sld [smem:$0x3FFB];
	_ =	sdelay $0x3  }
0x92: {  	_ =	strace s17  }
0x93: {  	s2 =	sld [smem:$0x3FFC];
	_ =	sdelay $0x3  }
0x94: {  	_ =	strace s2  }
0x95: {  	s2 =	sld [smem:$0x3FFD];
	_ =	sdelay $0x3  }
0x96: {  	_ =	strace s2  }
0x97: {  	_ =	strace $0x8FFFFFFF  }
0x98: {  	s18 =	sld [smem:$0x3FDB];
	_ =	sdelay $0x1  }
0x99: {  	s19 =	simm.s32 $_scs_section_size  }
0x9a: {  	s4 =	simm.s32 $_size__tile_overlayer_lowered;
	s5 =	simm.s32 $_tile_overlayer_lowered  }
0x9b: {  	s22 =	simm.s32 $0x1BFF;
	s21 =	sshll.u32 s5, $0x1;
	s2 =	sadd.s32 s19, s18  }
0x9c: {  	s6 =	simm.s32 $0x0;
	s20 =	sshll.u32 s4, $0x1;
	s4 =	sadd.s32 s21, s2  }
0x9d: {  	[timem:s6], [sflag:s22] =	dma.local [hbm:s4], s20  }
0x9e: {  	_ =	swait.ge [sflag:s22], s20  }
0x9f: {  	s3 =	ssub.s32 $0x0, s20;
	[sflag:s22] =	ssyncset.done $0x0  }
0xa0: {  	[sflag:s22] =	ssyncadd.s32 s3;
	_ =	sdelay $0x1  }
0xa1: {  	s23 =	simm.s32 $0x1B8B  }
0xa2: {  	_ =	swait.ge [sflag:s23], $0x1  }
0xa3: {  	[sflag:s23] =	ssyncset.done $0x0  }
0xa4: {  	s25 =	simm.s32 $0x1B8E;
	s24 =	sld [smem:$0x3FFE];
	[sflag:s23] =	ssyncadd.s32 $0xFFFFFFFF  }
0xa5: {  	s26 =	simm.s32 $execute0_lowered;
	[smem:$0x3FD2] =	sst s25  }
0xa6: {  	s4 =	sshll.u32 s26, $0x1;
	_ =	strace $0x8000004C;
	[dreg:$0x1] =	wrdreg $0xFFFFFFFF  }
0xa7: {  	s28 =	simm.s32 $_size_execute0_lowered;
	s2 =	sadd.s32 s2, s4;
	[dreg:$0x0] =	wrdreg $0x0  }
0xa8: {  	s4 =	sshll.u32 s28, $0x1;
	[dreg:$0x2] =	wrdreg s2  }
0xa9: {  	[dreg:$0x3] =	wrdreg s4  }
0xaa: {  	[dreg:$0x4] =	wrdreg $0xC0  }
0xab: {  	_ =	task [dreg:s6], $0x5FFFF  }
0xac: {  	[dreg:$0x1] =	wrdreg $0xFFFFFFFF  }
0xad: {  	[dreg:$0x0] =	wrdreg $0x60  }
0xae: {  	[dreg:$0x2] =	wrdreg s24  }
0xaf: {  	[dreg:$0x3] =	wrdreg $0x9  }
0xb0: {  	_ =	task.clear_ibuf [dreg:s6], $0x4FFFF;
	_ =	strace $0x9000004C  }
0xb1: {  	s29 =	simm.s32 $0x9;
	_ =	strace $0x8000004E  }
0xb2: {  	_ =	swait.ge [sflag:s29], $0x1  }
0xb3: {  	[sflag:s29] =	ssyncadd.s32 $0xFFFFFFFF  }
0xb4: {  	_ =	strace $0x9000004E  }
0xb5: {  	_ =	sfence  }
0xb6: {  	s30 =	sld [smem:$0x0];
	_ =	sdelay $0x2  }
0xb7: {  	s31 =	sshll.u32 s1, $0xD;
	s1 =	sshrl.u32 s1, $0x2  }
0xb8: {  	s3 =	sand.u32 $0x4000, s31;
	s1 =	sadd.s32 s1, s30  }
0xb9: {  	s0 =	sor.u32 s3, s0;
	s1 =	sshll.u32 s1, $0x11  }
0xba: {  	s0 =	sor.u32 s1, s0  }
0xbb: {  	s0 =	sadd.s32 $0x8F2B, s0  }
0xbc: {  	[sflag:s0] =	ssyncadd.remote.s32 $0x1  }
0xbd: {  	_ =	sfence.sel $0xFFFF  }
0xbe: {  	[dreg:$0x0] =	wrdreg $0xFFFFFFFF;
	(pc) =	sbr.abs _section_cstart, $3  }
0xbf: {  	[dreg:$0x1] =	wrdreg $0xFFFFFFFF  }
0xc0: {  	_ =	task.clear_ibuf [dreg:s6], $0x2FFFF;
	_ =	strace $0x9FFFFFFF  }
0xc1: {  	(tm) =	ssettm $0x7FFFFFFF  }
tec
execute0_lowered:
.L_overlay_start_1:
0x0: {  	(tag) =	ssettag $0x1  }
0x1: {  	s1 =	srdreg.scid;
	s0 =	stileid.u32  }
0x2: {  	s6 =	sand.u32 $0x1, s1;
	s30 =	sshll.u32 s0, $0x1  }
0x3: {  	s9 =	rddreg [dreg:$0x0];
	s7 =	sor.u32 s6, s30  }
0x4: {  	s2 =	simm.s32 $0x0;
	s1 =	rddreg [dreg:$0x1];
	s3 =	smul.u32 $0x12, s7  }
0x5: {  	s8 =	simm.s32 $0x1;
	[smem:$0x7FF] =	sst s2;
	s5 =	sadd.s32 $0x43600, s9  }
0x6: {  	_ =	strace $0x8000004D;
	s11 =	ssub.s32 $0x2, s6;
	s3 =	sadd.s32 s3, s9  }
0x7: {  	s6 =	simm.s32 $0x90;
	s4 =	sadd.s32 $0x3800, s3;
	s3 =	simm.s32 $0x2  }
0x8: {  	[tilespmem:s2], [sflag:$0x2] =	stream.linear.gather [hbm4b:s4+s2], $0x90, $0x38;
	[tilespmem:$0x4900] =	vst v63  }
0x9: {  	s10 =	smul.u32 $0x900, s7;
	s12 =	sshrl.u32 s11, $0x1;
	_ =	swait.ge [sflag:s3], $0x90  }
0xa: {  	s7 =	simm.s32 $0x100;
	s31 =	ssub.s32 s11, s12;
	[sflag:s3] =	ssyncset.done $0x0  }
0xb: {  	s9 =	sadd.s32 s10, s9;
	s10 =	smax.u32 s31, $0x1;
	[sflag:s3] =	ssyncadd.s32 $0xFFFFFF70  }
0xc: {  	[tilespmem:s7], [sflag:$0x1] =	stream.indirect.gather [hbm4b:s5+s6], $0x80, s2, s6, $0xb8;
	[tilespmem:$0x4900] =	vst v63  }
0xd: {  	p0 =	sne.s32 s10, $0x1;
	_ =	swait.ge [sflag:s8], $0x4800  }
.Ltmp0:
0xe: {  	[sflag:s8] =	ssyncset.done $0x0;
	(pc) =	sbr.rel @!p0 .LBB2_2-.Ltmp0, $4  }
0xf: {  	s9 =	sadd.s32 $0x3C00, s9;
	[sflag:s8] =	ssyncadd.s32 $0xFFFFB800  }
0x10: {  	[hbm4b:s9+s2] =	stream.linear.scatter [tilespmem:s7], [sflag:$0x2], $0x4800, $0x38;
	[tilespmem:$0x4900] =	vst v63  }
0x11: {  	_ =	swait.ge [sflag:s3], $0x4800  }
0x12: {  	s10 =	sadd.s32 $0xFFFFFFFF, s10;
	[sflag:s3] =	ssyncset.done $0x0  }
.LBB2_1:
0x13: {  	p0 =	sne.s32 s10, $0x1;
	s10 =	sadd.s32 $0xFFFFFFFF, s10;
	[sflag:s3] =	ssyncadd.s32 $0xFFFFB800  }
0x14: {  	[tilespmem:s2], [sflag:$0x2] =	stream.linear.gather [hbm4b:s4+s2], $0x90, $0x38;
	[tilespmem:$0x4900] =	vst v63  }
0x15: {  	_ =	swait.ge [sflag:s3], $0x90  }
0x16: {  	[sflag:s3] =	ssyncset.done $0x0  }
0x17: {  	[sflag:s3] =	ssyncadd.s32 $0xFFFFFF70  }
0x18: {  	[tilespmem:s7], [sflag:$0x1] =	stream.indirect.gather [hbm4b:s5+s6], $0x80, s2, s6, $0xb8;
	[tilespmem:$0x4900] =	vst v63  }
0x19: {  	_ =	swait.ge [sflag:s8], $0x4800  }
.Ltmp1:
0x1a: {  	[sflag:s8] =	ssyncset.done $0x0;
	(pc) =	sbr.rel @p0 .LBB2_1-.Ltmp1, $4  }
0x1b: {  	[sflag:s8] =	ssyncadd.s32 $0xFFFFB800  }
0x1c: {  	[hbm4b:s9+s2] =	stream.linear.scatter [tilespmem:s7], [sflag:$0x2], $0x4800, $0x38;
	[tilespmem:$0x4900] =	vst v63  }
0x1d: {  	_ =	swait.ge [sflag:s3], $0x4800  }
0x1e: {  	[sflag:s3] =	ssyncset.done $0x0  }
.LBB2_2:
0x1f: {  	[sflag:s3] =	ssyncadd.s32 $0xFFFFB800  }
0x20: {  	_ =	sfence.sel $0x180000  }
0x21: {  	[bflag:$0x0] =	sbarrier.arrive $0xFFFF  }
0x22: {  	p0 =	sne.s32 s0, $0x0;
	_ =	strace $0x9000004D  }
0x23: {  	s0 =	sadd.s32 @!p0 $0x100000, s1;
	[bflag:$0x2] =	sbarrier.arrive $0xFFFF  }
0x24: {  	[sflag:s0] =	ssyncadd.tile.s32 @!p0 $0x1;
	_ =	shalt  }
.Lfunc_end2:
_tile_overlayer_lowered:
.L_overlay_start_2:
0x25: {  	(tag) =	ssettag $0x2  }
0x26: {  	s0 =	rddreg [dreg:$0x0];
	s2 =	stileid.u32  }
0x27: {  	s1 =	rddreg [dreg:$0x1];
	p0 =	sne.s32 s2, $0x0  }
0x28: {  	s3 =	rddreg [dreg:$0x2];
	[bflag:$0x3] =	sbarrier.arrive $0xFFFF;
	s2 =	simm.s32 @!p0 $0x1C02  }
0x29: {  	[timem:s3], [sflag:s2] =	dma.local @!p0 [hbm:s0], s1  }
0x2a: {  	s0 =	simm.s32 @!p0 $0x2  }
0x2b: {  	_ =	swait.ge @!p0 [sflag:s0], s1  }
0x2c: {  	s1 =	ssub.s32 @!p0 $0x0, s1;
	[sflag:s0] =	ssyncset.done @!p0 $0x0  }
0x2d: {  	[sflag:s0] =	ssyncadd.s32 @!p0 s1  }
0x2e: {  	[bflag:$0x3] =	sbarrier.arrive $0xFFFF  }
0x2f: {  	_ =	shalt  }

// kernel: kernel.20.cloned.1.call-start
scs
__scs_entry_jumppad:
0x0: {  	(pc) =	sbr.rel $0x88, $3  }
0x1: {  	(tag) =	ssettag $0x0;
	lr =	simm.s32 $0x1  }
0x2: {  	[smem:$0x3F9F] =	sst lr;
	_ =	strace $0xD0000000  }
0x3: {  	_ = 	snop  }
0x4: {  	_ = 	snop  }
0x5: {  	_ = 	snop  }
0x6: {  	_ = 	snop  }
0x7: {  	_ = 	snop  }
__scs_overlays_trampoline_lowered:
0x8: {  	[smem:$0x3FAE] =	sst s0  }
0x9: {  	[smem:$0x3FAF] =	sst s1  }
0xa: {  	[smem:$0x3FB0] =	sst s2  }
0xb: {  	[smem:$0x3FB1] =	sst s3  }
0xc: {  	[smem:$0x3FB2] =	sst s4  }
0xd: {  	[smem:$0x3FB3] =	sst s5  }
0xe: {  	[smem:$0x3FB4] =	sst s6  }
0xf: {  	[smem:$0x3FB5] =	sst s7  }
0x10: {  	[smem:$0x3FB6] =	sst s8  }
0x11: {  	[smem:$0x3FB7] =	sst s9;
	s0 =	simm.s32 @!p0 $0x0  }
0x12: {  	s1 =	sld [smem:$0x3F9D];
	s0 =	simm.s32 @p0 $0x1  }
0x13: {  	[smem:$0x3FB8] =	sst s0;
	s0 =	simm.s32 @!p1 $0x0  }
0x14: {  	s2 =	sld [smem:$0x3F9C];
	s0 =	simm.s32 @p1 $0x1  }
0x15: {  	[smem:$0x3FB9] =	sst s0;
	s0 =	simm.s32 @!p2 $0x0  }
0x16: {  	s3 =	sld [smem:$0x3FDB];
	s0 =	simm.s32 @p2 $0x1  }
0x17: {  	s4 =	simm.s32 $0x1BF5;
	[smem:$0x3FBB] =	sst s0  }
0x18: {  	s0 =	sld [smem:$0x3F9E];
	_ =	swait.ge [sflag:s4], $0x0  }
0x19: {  	s7 =	sld [smem:$0x3F9F]  }
0x1a: {  	s8 =	sadd.s32 $0xFFFFE003, lr  }
0x1b: {  	s9 =	sadd.s32 $0xFFFFFEF7, lr;
	s5 =	simm.s32 $0xFFFFFFFF;
	p2 =	slt.u32 s8, $0xFFFFF086  }
0x1c: {  	p1 =	slt.u32 s9, $0xF7A;
	s5 =	simm.s32 @!p2 $0x0  }
0x1d: {  	s5 =	simm.s32 @p1 $0x1;
	p0 =	seq.s32 s7, s2  }
0x1e: {  	s7 =	smul.u32 @!p0 $0xF7A, s2;
	p2 =	seq.s32 @!p0 s5, $0x0  }
0x1f: {  	s9 =	smul.u32 $0xF7A, s1;
	s8 =	simm.s32 @!p0 $0x1BF5;
	p2 =	por !p2, p0  }
0x20: {  	[sflag:s8] =	ssyncset.s32 @!p0 $0xFFFFF086;
	s6 =	sadd.s32 @!p0 s3, s7;
	s7 =	simm.s32 @!p0 $0x108  }
0x21: {  	s3 =	sadd.s32 s3, s9;
	s6 =	sadd.s32 @!p0 $0x88, s6;
	s7 =	simm.s32 @p2 $0x1082  }
0x22: {  	[simem:s7], [sflag:s8] =	dma.local @!p0 [hbm:s6], $0xF7A  }
0x23: {  	s9 =	sor.u32 $0xD0000000, s2;
	s6 =	simm.s32 $0x108;
	_ =	swait.ge @!p0 [sflag:s8], $0x0  }
0x24: {  	s3 =	sadd.s32 $0x88, s3;
	s6 =	simm.s32 @!p1 $0x1082;
	[sflag:s4] =	ssyncset.s32 $0xFFFFF086  }
0x25: {  	[simem:s6], [sflag:s4] =	dma.local [hbm:s3], $0xF7A  }
0x26: {  	[smem:$0x3F9F] =	sst s1;
	(tag) =	ssettag s2;
	_ =	strace s9  }
0x27: {  	s1 =	sld [smem:$0x3FAF]  }
0x28: {  	s2 =	sld [smem:$0x3FB0]  }
0x29: {  	s4 =	sld [smem:$0x3FB2]  }
0x2a: {  	p0 =	seq.s32 s5, $0x0;
	s5 =	sld [smem:$0x3FB3]  }
0x2b: {  	s6 =	sld [smem:$0x3FB4]  }
0x2c: {  	s7 =	sld [smem:$0x3FB5]  }
0x2d: {  	s3 =	simm.s32 $0x108;
	s8 =	sld [smem:$0x3FB6]  }
0x2e: {  	s3 =	simm.s32 @!p0 $0x1082;
	s9 =	sld [smem:$0x3FB7]  }
0x2f: {  	lr =	sadd.s32 s0, s3;
	s0 =	sld [smem:$0x3FAE]  }
0x30: {  	s3 =	sld [smem:$0x3FB1]  }
0x31: {  	[smem:$0x3FBA] =	sst s10  }
0x32: {  	s10 =	sld [smem:$0x3FB8];
	_ =	sdelay $0x3  }
0x33: {  	p0 =	seq.s32 s10, $0x1;
	s10 =	sld [smem:$0x3FBA];
	_ =	sdelay $0x3  }
0x34: {  	[smem:$0x3FBA] =	sst s10  }
0x35: {  	s10 =	sld [smem:$0x3FB9];
	_ =	sdelay $0x3  }
0x36: {  	p1 =	seq.s32 s10, $0x1;
	s10 =	sld [smem:$0x3FBA];
	_ =	sdelay $0x3  }
0x37: {  	[smem:$0x3FBA] =	sst s10  }
0x38: {  	s10 =	sld [smem:$0x3FBB]  }
0x39: {  	_ = 	snop;
	(pc) =	sbr.ind lr, $3  }
0x3a: {  	_ = 	snop  }
0x3b: {  	_ = 	snop  }
0x3c: {  	p2 =	seq.s32 s10, $0x1;
	s10 =	sld [smem:$0x3FBA]  }
0x3d: {  	_ =	shalt  }
0x3e: {  	_ =	shalt  }
0x3f: {  	_ =	shalt  }
0x40: {  	_ =	shalt  }
0x41: {  	_ =	shalt  }
0x42: {  	_ =	shalt  }
0x43: {  	_ =	shalt  }
0x44: {  	_ =	shalt  }
0x45: {  	_ =	shalt  }
0x46: {  	_ =	shalt  }
0x47: {  	_ =	shalt  }
0x48: {  	_ =	shalt  }
0x49: {  	_ =	shalt  }
0x4a: {  	_ =	shalt  }
0x4b: {  	_ =	shalt  }
0x4c: {  	_ =	shalt  }
0x4d: {  	_ =	shalt  }
0x4e: {  	_ =	shalt  }
0x4f: {  	_ =	shalt  }
0x50: {  	_ =	shalt  }
0x51: {  	_ =	shalt  }
0x52: {  	_ =	shalt  }
0x53: {  	_ =	shalt  }
0x54: {  	_ =	shalt  }
0x55: {  	_ =	shalt  }
0x56: {  	_ =	shalt  }
0x57: {  	_ =	shalt  }
0x58: {  	_ =	shalt  }
0x59: {  	_ =	shalt  }
0x5a: {  	_ =	shalt  }
0x5b: {  	_ =	shalt  }
0x5c: {  	_ =	shalt  }
0x5d: {  	_ =	shalt  }
0x5e: {  	_ =	shalt  }
0x5f: {  	_ =	shalt  }
0x60: {  	_ =	shalt  }
0x61: {  	_ =	shalt  }
0x62: {  	_ =	shalt  }
0x63: {  	_ =	shalt  }
0x64: {  	_ =	shalt  }
0x65: {  	_ =	shalt  }
0x66: {  	_ =	shalt  }
0x67: {  	_ =	shalt  }
0x68: {  	_ =	shalt  }
0x69: {  	_ =	shalt  }
0x6a: {  	_ =	shalt  }
0x6b: {  	_ =	shalt  }
0x6c: {  	_ =	shalt  }
0x6d: {  	_ =	shalt  }
0x6e: {  	_ =	shalt  }
0x6f: {  	_ =	shalt  }
0x70: {  	_ =	shalt  }
0x71: {  	_ =	shalt  }
0x72: {  	_ =	shalt  }
0x73: {  	_ =	shalt  }
0x74: {  	_ =	shalt  }
0x75: {  	_ =	shalt  }
0x76: {  	_ =	shalt  }
0x77: {  	_ =	shalt  }
0x78: {  	_ =	shalt  }
0x79: {  	_ =	shalt  }
0x7a: {  	_ =	shalt  }
0x7b: {  	_ =	shalt  }
0x7c: {  	_ =	shalt  }
0x7d: {  	_ =	shalt  }
0x7e: {  	_ =	shalt  }
0x7f: {  	_ =	shalt  }
0x80: {  	_ =	shalt  }
0x81: {  	_ =	shalt  }
0x82: {  	_ =	shalt  }
0x83: {  	_ =	shalt  }
0x84: {  	_ =	shalt  }
0x85: {  	_ =	shalt  }
0x86: {  	_ =	shalt  }
0x87: {  	_ =	shalt  }
.Lfunc_end0:
.L_simem_size_0:
called_computation.3_lowered:
.L_overlay_start_0:
0x88: {  	s2 =	sld [smem:$0x3FD9]  }
0x89: {  	s3 =	sld [smem:$0x3FFE];
	_ =	sdelay $0x1  }
0x8a: {  	s1 =	srdreg.scid  }
0x8b: {  	s0 =	sand.u32 $0x1, s1  }
0x8c: {  	s16 =	sshll.u32 s0, $0xA;
	s2 =	sadd.s32 s3, s2  }
0x8d: {  	s2 =	sadd.s32 s2, s16  }
0x8e: {  	[smem:$0x3FC6] =	sst s2  }
0x8f: {  	_ = 	snop  }
0x90: {  	(tm) =	ssettm $0x1  }
0x91: {  	s17 =	sld [smem:$0x3FFB];
	_ =	sdelay $0x3  }
0x92: {  	_ =	strace s17  }
0x93: {  	s2 =	sld [smem:$0x3FFC];
	_ =	sdelay $0x3  }
0x94: {  	_ =	strace s2  }
0x95: {  	s2 =	sld [smem:$0x3FFD];
	_ =	sdelay $0x3  }
0x96: {  	_ =	strace s2  }
0x97: {  	_ =	strace $0x8FFFFFFF  }
0x98: {  	s18 =	sld [smem:$0x3FDB];
	_ =	sdelay $0x1  }
0x99: {  	s19 =	simm.s32 $_scs_section_size  }
0x9a: {  	s4 =	simm.s32 $_size__tile_overlayer_lowered;
	s5 =	simm.s32 $_tile_overlayer_lowered  }
0x9b: {  	s22 =	simm.s32 $0x1BFF;
	s21 =	sshll.u32 s5, $0x1;
	s2 =	sadd.s32 s19, s18  }
0x9c: {  	s6 =	simm.s32 $0x0;
	s20 =	sshll.u32 s4, $0x1;
	s4 =	sadd.s32 s21, s2  }
0x9d: {  	[timem:s6], [sflag:s22] =	dma.local [hbm:s4], s20  }
0x9e: {  	_ =	swait.ge [sflag:s22], s20  }
0x9f: {  	s3 =	ssub.s32 $0x0, s20;
	[sflag:s22] =	ssyncset.done $0x0  }
0xa0: {  	[sflag:s22] =	ssyncadd.s32 s3;
	_ =	sdelay $0x1  }
0xa1: {  	s23 =	simm.s32 $0x1B8B  }
0xa2: {  	_ =	swait.ge [sflag:s23], $0x1  }
0xa3: {  	[sflag:s23] =	ssyncset.done $0x0  }
0xa4: {  	s25 =	simm.s32 $0x1B8E;
	s24 =	sld [smem:$0x3FFE];
	[sflag:s23] =	ssyncadd.s32 $0xFFFFFFFF  }
0xa5: {  	s26 =	simm.s32 $execute0_lowered;
	[smem:$0x3FD2] =	sst s25  }
0xa6: {  	s4 =	sshll.u32 s26, $0x1;
	_ =	strace $0x8000004F;
	[dreg:$0x1] =	wrdreg $0xFFFFFFFF  }
0xa7: {  	s28 =	simm.s32 $_size_execute0_lowered;
	s2 =	sadd.s32 s2, s4;
	[dreg:$0x0] =	wrdreg $0x0  }
0xa8: {  	s4 =	sshll.u32 s28, $0x1;
	[dreg:$0x2] =	wrdreg s2  }
0xa9: {  	[dreg:$0x3] =	wrdreg s4  }
0xaa: {  	[dreg:$0x4] =	wrdreg $0xC0  }
0xab: {  	_ =	task [dreg:s6], $0x5FFFF  }
0xac: {  	[dreg:$0x1] =	wrdreg $0xFFFFFFFF  }
0xad: {  	[dreg:$0x0] =	wrdreg $0x60  }
0xae: {  	[dreg:$0x2] =	wrdreg s24  }
0xaf: {  	[dreg:$0x3] =	wrdreg $0x9  }
0xb0: {  	_ =	task.clear_ibuf [dreg:s6], $0x4FFFF;
	_ =	strace $0x9000004F  }
0xb1: {  	s29 =	simm.s32 $0x9;
	_ =	strace $0x80000051  }
0xb2: {  	_ =	swait.ge [sflag:s29], $0x1  }
0xb3: {  	[sflag:s29] =	ssyncadd.s32 $0xFFFFFFFF  }
0xb4: {  	_ =	strace $0x90000051  }
0xb5: {  	_ =	sfence  }
0xb6: {  	s30 =	sld [smem:$0x0];
	_ =	sdelay $0x2  }
0xb7: {  	s31 =	sshll.u32 s1, $0xD;
	s1 =	sshrl.u32 s1, $0x2  }
0xb8: {  	s3 =	sand.u32 $0x4000, s31;
	s1 =	sadd.s32 s1, s30  }
0xb9: {  	s0 =	sor.u32 s3, s0;
	s1 =	sshll.u32 s1, $0x11  }
0xba: {  	s0 =	sor.u32 s1, s0  }
0xbb: {  	s0 =	sadd.s32 $0x8F2B, s0  }
0xbc: {  	[sflag:s0] =	ssyncadd.remote.s32 $0x1  }
0xbd: {  	_ =	sfence.sel $0xFFFF  }
0xbe: {  	[dreg:$0x0] =	wrdreg $0xFFFFFFFF;
	(pc) =	sbr.abs _section_cstart, $3  }
0xbf: {  	[dreg:$0x1] =	wrdreg $0xFFFFFFFF  }
0xc0: {  	_ =	task.clear_ibuf [dreg:s6], $0x2FFFF;
	_ =	strace $0x9FFFFFFF  }
0xc1: {  	(tm) =	ssettm $0x7FFFFFFF  }
tec
execute0_lowered:
.L_overlay_start_1:
0x0: {  	(tag) =	ssettag $0x1  }
0x1: {  	s1 =	srdreg.scid;
	s0 =	stileid.u32  }
0x2: {  	s6 =	sand.u32 $0x1, s1;
	s30 =	sshll.u32 s0, $0x1  }
0x3: {  	s9 =	rddreg [dreg:$0x0];
	s7 =	sor.u32 s6, s30  }
0x4: {  	s2 =	simm.s32 $0x0;
	s1 =	rddreg [dreg:$0x1];
	s3 =	smul.u32 $0x12, s7  }
0x5: {  	s8 =	simm.s32 $0x1;
	[smem:$0x7FF] =	sst s2;
	s5 =	sadd.s32 $0x63600, s9  }
0x6: {  	_ =	strace $0x80000050;
	s11 =	ssub.s32 $0x2, s6;
	s3 =	sadd.s32 s3, s9  }
0x7: {  	s6 =	simm.s32 $0x90;
	s4 =	sadd.s32 $0x3E00, s3;
	s3 =	simm.s32 $0x2  }
0x8: {  	[tilespmem:s2], [sflag:$0x2] =	stream.linear.gather [hbm4b:s4+s2], $0x90, $0x38;
	[tilespmem:$0x4900] =	vst v63  }
0x9: {  	s10 =	smul.u32 $0x900, s7;
	s12 =	sshrl.u32 s11, $0x1;
	_ =	swait.ge [sflag:s3], $0x90  }
0xa: {  	s7 =	simm.s32 $0x100;
	s31 =	ssub.s32 s11, s12;
	[sflag:s3] =	ssyncset.done $0x0  }
0xb: {  	s9 =	sadd.s32 s10, s9;
	s10 =	smax.u32 s31, $0x1;
	[sflag:s3] =	ssyncadd.s32 $0xFFFFFF70  }
0xc: {  	[tilespmem:s7], [sflag:$0x1] =	stream.indirect.gather [hbm4b:s5+s6], $0x80, s2, s6, $0xb8;
	[tilespmem:$0x4900] =	vst v63  }
0xd: {  	p0 =	sne.s32 s10, $0x1;
	_ =	swait.ge [sflag:s8], $0x4800  }
.Ltmp0:
0xe: {  	[sflag:s8] =	ssyncset.done $0x0;
	(pc) =	sbr.rel @!p0 .LBB2_2-.Ltmp0, $4  }
0xf: {  	s9 =	sadd.s32 $0x4200, s9;
	[sflag:s8] =	ssyncadd.s32 $0xFFFFB800  }
0x10: {  	[hbm4b:s9+s2] =	stream.linear.scatter [tilespmem:s7], [sflag:$0x2], $0x4800, $0x38;
	[tilespmem:$0x4900] =	vst v63  }
0x11: {  	_ =	swait.ge [sflag:s3], $0x4800  }
0x12: {  	s10 =	sadd.s32 $0xFFFFFFFF, s10;
	[sflag:s3] =	ssyncset.done $0x0  }
.LBB2_1:
0x13: {  	p0 =	sne.s32 s10, $0x1;
	s10 =	sadd.s32 $0xFFFFFFFF, s10;
	[sflag:s3] =	ssyncadd.s32 $0xFFFFB800  }
0x14: {  	[tilespmem:s2], [sflag:$0x2] =	stream.linear.gather [hbm4b:s4+s2], $0x90, $0x38;
	[tilespmem:$0x4900] =	vst v63  }
0x15: {  	_ =	swait.ge [sflag:s3], $0x90  }
0x16: {  	[sflag:s3] =	ssyncset.done $0x0  }
0x17: {  	[sflag:s3] =	ssyncadd.s32 $0xFFFFFF70  }
0x18: {  	[tilespmem:s7], [sflag:$0x1] =	stream.indirect.gather [hbm4b:s5+s6], $0x80, s2, s6, $0xb8;
	[tilespmem:$0x4900] =	vst v63  }
0x19: {  	_ =	swait.ge [sflag:s8], $0x4800  }
.Ltmp1:
0x1a: {  	[sflag:s8] =	ssyncset.done $0x0;
	(pc) =	sbr.rel @p0 .LBB2_1-.Ltmp1, $4  }
0x1b: {  	[sflag:s8] =	ssyncadd.s32 $0xFFFFB800  }
0x1c: {  	[hbm4b:s9+s2] =	stream.linear.scatter [tilespmem:s7], [sflag:$0x2], $0x4800, $0x38;
	[tilespmem:$0x4900] =	vst v63  }
0x1d: {  	_ =	swait.ge [sflag:s3], $0x4800  }
0x1e: {  	[sflag:s3] =	ssyncset.done $0x0  }
.LBB2_2:
0x1f: {  	[sflag:s3] =	ssyncadd.s32 $0xFFFFB800  }
0x20: {  	_ =	sfence.sel $0x180000  }
0x21: {  	[bflag:$0x0] =	sbarrier.arrive $0xFFFF  }
0x22: {  	p0 =	sne.s32 s0, $0x0;
	_ =	strace $0x90000050  }
0x23: {  	s0 =	sadd.s32 @!p0 $0x100000, s1;
	[bflag:$0x2] =	sbarrier.arrive $0xFFFF  }
0x24: {  	[sflag:s0] =	ssyncadd.tile.s32 @!p0 $0x1;
	_ =	shalt  }
.Lfunc_end2:
_tile_overlayer_lowered:
.L_overlay_start_2:
0x25: {  	(tag) =	ssettag $0x2  }
0x26: {  	s0 =	rddreg [dreg:$0x0];
	s2 =	stileid.u32  }
0x27: {  	s1 =	rddreg [dreg:$0x1];
	p0 =	sne.s32 s2, $0x0  }
0x28: {  	s3 =	rddreg [dreg:$0x2];
	[bflag:$0x3] =	sbarrier.arrive $0xFFFF;
	s2 =	simm.s32 @!p0 $0x1C02  }
0x29: {  	[timem:s3], [sflag:s2] =	dma.local @!p0 [hbm:s0], s1  }
0x2a: {  	s0 =	simm.s32 @!p0 $0x2  }
0x2b: {  	_ =	swait.ge @!p0 [sflag:s0], s1  }
0x2c: {  	s1 =	ssub.s32 @!p0 $0x0, s1;
	[sflag:s0] =	ssyncset.done @!p0 $0x0  }
0x2d: {  	[sflag:s0] =	ssyncadd.s32 @!p0 s1  }
0x2e: {  	[bflag:$0x3] =	sbarrier.arrive $0xFFFF  }
0x2f: {  	_ =	shalt  }

</sc_bundles>
